<compile_context>
chip_gen: v7x
topology: tpu7x:2x2x1
jax: 0.10.2.dev20260603
libtpu: 0.0.44.dev20260713+nightly
codegen_flags: <defaults>
</compile_context>

<pallas_src>
import functools

import jax
import jax.numpy as jnp
from jax import lax
from jax.experimental import pallas as pl
from jax.experimental.pallas import tpu as pltpu
from jax.experimental.pallas import tpu_sc as plsc

PRE_SEQ_LEN = 128
HIDDEN = 1024
NUM_LAYERS = 24
OUT_DIM = NUM_LAYERS * 2 * HIDDEN
BATCH = 16
ROWS = BATCH * PRE_SEQ_LEN
BLOCK_N = 2048

NC, NS = 2, 16
NW = NC * NS
RPW = ROWS // NW
CCH = 768
NCH = OUT_DIM // CCH


def _table_kernel(emb_ref, w1_ref, b1_ref, w2_ref, b2_ref, tbl_ref, htab_ref):
    j = pl.program_id(0)

    @pl.when(j == 0)
    def _init():
        h = jnp.dot(emb_ref[...], w1_ref[...],
                    preferred_element_type=jnp.float32)
        htab_ref[...] = jnp.tanh(h + b1_ref[...]).astype(jnp.bfloat16)

    tbl_ref[...] = jnp.dot(
        htab_ref[...], w2_ref[...].astype(jnp.bfloat16),
        preferred_element_type=jnp.float32) + b2_ref[...]


def _sc_gather(tbl_hbm, ids_hbm, out_hbm, ids_v, buf0, buf1, sem0, sem1):
    wid = lax.axis_index("s") * NC + lax.axis_index("c")
    base = wid * RPW
    rows = pl.ds(base, RPW)
    pltpu.sync_copy(ids_hbm.at[rows], ids_v)

    pltpu.async_copy(tbl_hbm.at[ids_v, pl.ds(0, 1)], buf0, sem0)
    pltpu.async_copy(tbl_hbm.at[ids_v, pl.ds(1, 1)], buf1, sem1)

    def body(i, carry):
        ch0 = 2 * i
        pltpu.make_async_copy(tbl_hbm.at[ids_v, pl.ds(ch0, 1)], buf0, sem0).wait()
        pltpu.sync_copy(buf0, out_hbm.at[rows, pl.ds(ch0, 1)])

        @pl.when(ch0 + 2 < NCH)
        def _():
            pltpu.async_copy(tbl_hbm.at[ids_v, pl.ds(ch0 + 2, 1)], buf0, sem0)

        pltpu.make_async_copy(tbl_hbm.at[ids_v, pl.ds(ch0 + 1, 1)], buf1, sem1).wait()
        pltpu.sync_copy(buf1, out_hbm.at[rows, pl.ds(ch0 + 1, 1)])

        @pl.when(ch0 + 3 < NCH)
        def _():
            pltpu.async_copy(tbl_hbm.at[ids_v, pl.ds(ch0 + 3, 1)], buf1, sem1)

        return carry

    lax.fori_loop(0, NCH // 2, body, 0)


@jax.jit
def kernel(prefix, emb, W1, b1, W2, b2):
    ids = prefix.reshape(ROWS).astype(jnp.int32)
    b1r = b1.reshape(1, HIDDEN)
    b2r = b2.reshape(1, OUT_DIM)

    table = pl.pallas_call(
        _table_kernel,
        grid=(OUT_DIM // BLOCK_N,),
        in_specs=[
            pl.BlockSpec((PRE_SEQ_LEN, HIDDEN), lambda j: (0, 0)),
            pl.BlockSpec((HIDDEN, HIDDEN), lambda j: (0, 0)),
            pl.BlockSpec((1, HIDDEN), lambda j: (0, 0)),
            pl.BlockSpec((HIDDEN, BLOCK_N), lambda j: (0, j)),
            pl.BlockSpec((1, BLOCK_N), lambda j: (0, j)),
        ],
        out_specs=pl.BlockSpec((PRE_SEQ_LEN, BLOCK_N), lambda j: (0, j)),
        out_shape=jax.ShapeDtypeStruct((PRE_SEQ_LEN, OUT_DIM), jnp.float32),
        scratch_shapes=[pltpu.VMEM((PRE_SEQ_LEN, HIDDEN), jnp.bfloat16)],
        compiler_params=pltpu.CompilerParams(
            dimension_semantics=("arbitrary",),
        ),
    )(emb, W1, b1r, W2, b2r)

    tbl3 = table.reshape(PRE_SEQ_LEN, NCH, CCH)

    gather = pl.kernel(
        _sc_gather,
        out_type=jax.ShapeDtypeStruct((ROWS, NCH, CCH), jnp.float32),
        mesh=plsc.VectorSubcoreMesh(core_axis_name="c", subcore_axis_name="s"),
        scratch_types=[
            pltpu.VMEM((RPW,), jnp.int32),
            pltpu.VMEM((RPW, 1, CCH), jnp.float32),
            pltpu.VMEM((RPW, 1, CCH), jnp.float32),
            pltpu.SemaphoreType.DMA,
            pltpu.SemaphoreType.DMA,
        ],
    )
    out3 = gather(tbl3, ids)
    return out3.reshape(BATCH, PRE_SEQ_LEN, OUT_DIM)

# --- scband reference (transcript-rebuilt; emitter-appended) ---
"""Pipeline reference for scband-prefix-encoder-61314953118179 (READ-ONLY COPY).

The authoritative reference and input builder live on the scoring server;
editing this copy changes nothing except your own understanding.
"""

import jax, jax.numpy as jnp
import numpy as np

PRE_SEQ_LEN = 128
HIDDEN = 1024
NUM_LAYERS = 24
PREFIX_HIDDEN = 1024
BATCH = 16
OUT_DIM = NUM_LAYERS * 2 * HIDDEN  # 49152


def setup_inputs(seed: int = 0) -> dict:
    key = jax.random.key(seed)
    k1, k2, k3, k4, k5, k6 = jax.random.split(key, 6)
    prefix = jax.random.randint(k1, (BATCH, PRE_SEQ_LEN), 0, PRE_SEQ_LEN, dtype=jnp.int64 if jax.config.jax_enable_x64 else jnp.int32)
    emb = jax.random.normal(k2, (PRE_SEQ_LEN, HIDDEN), dtype=jnp.float32) * 0.02
    W1 = jax.random.normal(k3, (HIDDEN, PREFIX_HIDDEN), dtype=jnp.float32) * (1.0 / np.sqrt(HIDDEN))
    b1 = jnp.zeros((PREFIX_HIDDEN,), dtype=jnp.float32)
    W2 = jax.random.normal(k4, (PREFIX_HIDDEN, OUT_DIM), dtype=jnp.float32) * (1.0 / np.sqrt(PREFIX_HIDDEN))
    b2 = jnp.zeros((OUT_DIM,), dtype=jnp.float32)
    return {"prefix": prefix, "emb": emb, "W1": W1, "b1": b1, "W2": W2, "b2": b2}


def reference(prefix, emb, W1, b1, W2, b2):
    # embedding lookup: gather rows of emb by prefix ids
    prefix_tokens = jnp.take(emb, prefix, axis=0)          # [B, L, H]
    h = jnp.tanh(prefix_tokens @ W1 + b1)                  # [B, L, prefix_hidden]
    past_key_values = h @ W2 + b2                          # [B, L, num_layers*2*H]
    return past_key_values

if __name__ == "__main__":
    import jax
    _d = setup_inputs()
    print(jax.jit(kernel)(*tuple(_d.values())))

</pallas_src>

<mosaic_0001>
#map = affine_map<(d0, d1) -> (0, 0, 0)>
#map1 = affine_map<(d0, d1) -> (0)>
module attributes {stable_mosaic.version = 14 : i64} {
  func.func @_sc_gather(%arg0: i32, %arg1: i32, %arg2: memref<128x64x768xf32, #tpu.memory_space<hbm>>, %arg3: memref<2048xi32, #tpu.memory_space<hbm>>, %arg4: memref<2048x64x768xf32, #tpu.memory_space<hbm>>, %arg5: memref<64xi32, #tpu.memory_space<vmem>>, %arg6: memref<64x1x768xf32, #tpu.memory_space<vmem>>, %arg7: memref<64x1x768xf32, #tpu.memory_space<vmem>>, %arg8: memref<!tpu.dma_semaphore, #tpu.memory_space<semaphore_mem>>, %arg9: memref<!tpu.dma_semaphore, #tpu.memory_space<semaphore_mem>>) attributes {dimension_semantics = [#tpu.dimension_semantics<core_parallel>, #tpu.dimension_semantics<subcore_parallel>], iteration_bounds = array<i64: 2, 16>, scalar_prefetch = 0 : i64, scratch_operands = 5 : i64, tpu.core_type = #tpu.core_type<sc_vector_subcore>, window_params = [{transform_indices = #map}, {transform_indices = #map1}, {transform_indices = #map}]} {
    %mul3A = arith.constant 2 : i32
    %mul3A_0 = arith.muli %arg1, %mul3A : i32
    %add3A = arith.addi %mul3A_0, %arg0 : i32
    %mul3A_1 = arith.constant 64 : i32
    %mul3A_2 = arith.muli %add3A, %mul3A_1 : i32
    "tpu.region"() ({
      %run_scoped3A = tpu.sem_alloc : memref<!tpu.dma_semaphore, #tpu.memory_space<semaphore_mem>>
      %dma_start3A_15 = tpu.memref_slice %arg3[%mul3A_2] : memref<2048xi32, #tpu.memory_space<hbm>> -> memref<64xi32, #tpu.memory_space<hbm>>
      %dma_start3A_16 = tpu.memref_slice %arg3[%mul3A_2] : memref<2048xi32, #tpu.memory_space<hbm>> -> memref<64xi32, #tpu.memory_space<hbm>>
      tpu.enqueue_dma source(%dma_start3A_16 : memref<64xi32, #tpu.memory_space<hbm>>) target(%arg5 : memref<64xi32, #tpu.memory_space<vmem>>) target_semaphore(%run_scoped3A : memref<!tpu.dma_semaphore, #tpu.memory_space<semaphore_mem>>)
      %dma_wait3A = tpu.memref_slice %arg3[%mul3A_2] : memref<2048xi32, #tpu.memory_space<hbm>> -> memref<64xi32, #tpu.memory_space<hbm>>
      %dma_wait3A_17 = tpu.memref_slice %arg3[%mul3A_2] : memref<2048xi32, #tpu.memory_space<hbm>> -> memref<64xi32, #tpu.memory_space<hbm>>
      tpu.wait_dma2 semaphore(%run_scoped3A : memref<!tpu.dma_semaphore, #tpu.memory_space<semaphore_mem>>) src(%dma_wait3A_17 : memref<64xi32, #tpu.memory_space<hbm>>) dst(%arg5 : memref<64xi32, #tpu.memory_space<vmem>>)
      tpu.yield
    }) : () -> ()
    %dma_start3A = arith.constant 0 : i32
    %dma_start3A_3 = arith.constant 0 : i32
    %dma_start3A_4 = arith.constant 0 : i32
    %dma_start3A_5 = tpu.memref_slice %arg2[%dma_start3A, %dma_start3A_3, %dma_start3A_4] : memref<128x64x768xf32, #tpu.memory_space<hbm>> -> memref<128x1x768xf32, #tpu.memory_space<hbm>>
    tpu.enqueue_indirect_dma source(%dma_start3A_5 : memref<128x1x768xf32, #tpu.memory_space<hbm>>) target(%arg6 : memref<64x1x768xf32, #tpu.memory_space<vmem>>) offsets(%arg5 : memref<64xi32, #tpu.memory_space<vmem>>) semaphore(%arg8 : memref<!tpu.dma_semaphore, #tpu.memory_space<semaphore_mem>>)
    %dma_start3A_6 = arith.constant 0 : i32
    %dma_start3A_7 = arith.constant 1 : i32
    %dma_start3A_8 = arith.constant 0 : i32
    %dma_start3A_9 = tpu.memref_slice %arg2[%dma_start3A_6, %dma_start3A_7, %dma_start3A_8] : memref<128x64x768xf32, #tpu.memory_space<hbm>> -> memref<128x1x768xf32, #tpu.memory_space<hbm>>
    tpu.enqueue_indirect_dma source(%dma_start3A_9 : memref<128x1x768xf32, #tpu.memory_space<hbm>>) target(%arg7 : memref<64x1x768xf32, #tpu.memory_space<vmem>>) offsets(%arg5 : memref<64xi32, #tpu.memory_space<vmem>>) semaphore(%arg9 : memref<!tpu.dma_semaphore, #tpu.memory_space<semaphore_mem>>)
    %scan3A = arith.constant 0 : i32
    %scan3A_10 = arith.constant 0 : i32
    %scan3A_11 = arith.constant 32 : i32
    %scan3A_12 = arith.addi %scan3A_10, %scan3A_11 : i32
    %scan3A_13 = arith.constant 1 : i32
    scf.for %scan3A_15 = %scan3A_10 to %scan3A_12 step %scan3A_13  : i32 {
      %mul3A_16 = arith.constant 2 : i32
      %mul3A_17 = arith.muli %mul3A_16, %scan3A_15 : i32
      %dma_wait3A = arith.constant 0 : i32
      %dma_wait3A_18 = arith.constant 0 : i32
      %dma_wait3A_19 = tpu.memref_slice %arg2[%dma_wait3A, %mul3A_17, %dma_wait3A_18] : memref<128x64x768xf32, #tpu.memory_space<hbm>> -> memref<128x1x768xf32, #tpu.memory_space<hbm>>
      tpu.wait_indirect_dma semaphore(%arg8 : memref<!tpu.dma_semaphore, #tpu.memory_space<semaphore_mem>>) src(%dma_wait3A_19 : memref<128x1x768xf32, #tpu.memory_space<hbm>>) dst(%arg6 : memref<64x1x768xf32, #tpu.memory_space<vmem>>)
      "tpu.region"() ({
        %run_scoped3A = tpu.sem_alloc : memref<!tpu.dma_semaphore, #tpu.memory_space<semaphore_mem>>
        %dma_start3A_38 = arith.constant 0 : i32
        %dma_start3A_39 = tpu.memref_slice %arg4[%mul3A_2, %mul3A_17, %dma_start3A_38] : memref<2048x64x768xf32, #tpu.memory_space<hbm>> -> memref<64x1x768xf32, #tpu.memory_space<hbm>>
        %dma_start3A_40 = arith.constant 0 : i32
        %dma_start3A_41 = tpu.memref_slice %arg4[%mul3A_2, %mul3A_17, %dma_start3A_40] : memref<2048x64x768xf32, #tpu.memory_space<hbm>> -> memref<64x1x768xf32, #tpu.memory_space<hbm>>
        tpu.enqueue_dma source(%arg6 : memref<64x1x768xf32, #tpu.memory_space<vmem>>) target(%dma_start3A_41 : memref<64x1x768xf32, #tpu.memory_space<hbm>>) target_semaphore(%run_scoped3A : memref<!tpu.dma_semaphore, #tpu.memory_space<semaphore_mem>>)
        %dma_wait3A_42 = arith.constant 0 : i32
        %dma_wait3A_43 = tpu.memref_slice %arg4[%mul3A_2, %mul3A_17, %dma_wait3A_42] : memref<2048x64x768xf32, #tpu.memory_space<hbm>> -> memref<64x1x768xf32, #tpu.memory_space<hbm>>
        %dma_wait3A_44 = arith.constant 0 : i32
        %dma_wait3A_45 = tpu.memref_slice %arg4[%mul3A_2, %mul3A_17, %dma_wait3A_44] : memref<2048x64x768xf32, #tpu.memory_space<hbm>> -> memref<64x1x768xf32, #tpu.memory_space<hbm>>
        tpu.wait_dma2 semaphore(%run_scoped3A : memref<!tpu.dma_semaphore, #tpu.memory_space<semaphore_mem>>) src(%arg6 : memref<64x1x768xf32, #tpu.memory_space<vmem>>) dst(%dma_wait3A_45 : memref<64x1x768xf32, #tpu.memory_space<hbm>>)
        tpu.yield
      }) : () -> ()
      %add3A_20 = arith.constant 2 : i32
      %add3A_21 = arith.addi %mul3A_17, %add3A_20 : i32
      %lt3A = arith.constant 64 : i32
      %lt3A_22 = arith.cmpi slt, %add3A_21, %lt3A : i32
      %convert_element_type3A = arith.extui %lt3A_22 : i1 to i32
      %cond3A = arith.constant 0 : i32
      %cond3A_23 = arith.cmpi ne, %convert_element_type3A, %cond3A : i32
      scf.if %cond3A_23 {
        %add3A_38 = arith.constant 2 : i32
        %add3A_39 = arith.addi %mul3A_17, %add3A_38 : i32
        %dma_start3A_40 = arith.constant 0 : i32
        %dma_start3A_41 = arith.constant 0 : i32
        %dma_start3A_42 = tpu.memref_slice %arg2[%dma_start3A_40, %add3A_39, %dma_start3A_41] : memref<128x64x768xf32, #tpu.memory_space<hbm>> -> memref<128x1x768xf32, #tpu.memory_space<hbm>>
        tpu.enqueue_indirect_dma source(%dma_start3A_42 : memref<128x1x768xf32, #tpu.memory_space<hbm>>) target(%arg6 : memref<64x1x768xf32, #tpu.memory_space<vmem>>) offsets(%arg5 : memref<64xi32, #tpu.memory_space<vmem>>) semaphore(%arg8 : memref<!tpu.dma_semaphore, #tpu.memory_space<semaphore_mem>>)
      } else {
      }
      %add3A_24 = arith.constant 1 : i32
      %add3A_25 = arith.addi %mul3A_17, %add3A_24 : i32
      %dma_wait3A_26 = arith.constant 0 : i32
      %dma_wait3A_27 = arith.constant 0 : i32
      %dma_wait3A_28 = tpu.memref_slice %arg2[%dma_wait3A_26, %add3A_25, %dma_wait3A_27] : memref<128x64x768xf32, #tpu.memory_space<hbm>> -> memref<128x1x768xf32, #tpu.memory_space<hbm>>
      tpu.wait_indirect_dma semaphore(%arg9 : memref<!tpu.dma_semaphore, #tpu.memory_space<semaphore_mem>>) src(%dma_wait3A_28 : memref<128x1x768xf32, #tpu.memory_space<hbm>>) dst(%arg7 : memref<64x1x768xf32, #tpu.memory_space<vmem>>)
      %add3A_29 = arith.constant 1 : i32
      %add3A_30 = arith.addi %mul3A_17, %add3A_29 : i32
      "tpu.region"() ({
        %run_scoped3A = tpu.sem_alloc : memref<!tpu.dma_semaphore, #tpu.memory_space<semaphore_mem>>
        %dma_start3A_38 = arith.constant 0 : i32
        %dma_start3A_39 = tpu.memref_slice %arg4[%mul3A_2, %add3A_30, %dma_start3A_38] : memref<2048x64x768xf32, #tpu.memory_space<hbm>> -> memref<64x1x768xf32, #tpu.memory_space<hbm>>
        %dma_start3A_40 = arith.constant 0 : i32
        %dma_start3A_41 = tpu.memref_slice %arg4[%mul3A_2, %add3A_30, %dma_start3A_40] : memref<2048x64x768xf32, #tpu.memory_space<hbm>> -> memref<64x1x768xf32, #tpu.memory_space<hbm>>
        tpu.enqueue_dma source(%arg7 : memref<64x1x768xf32, #tpu.memory_space<vmem>>) target(%dma_start3A_41 : memref<64x1x768xf32, #tpu.memory_space<hbm>>) target_semaphore(%run_scoped3A : memref<!tpu.dma_semaphore, #tpu.memory_space<semaphore_mem>>)
        %dma_wait3A_42 = arith.constant 0 : i32
        %dma_wait3A_43 = tpu.memref_slice %arg4[%mul3A_2, %add3A_30, %dma_wait3A_42] : memref<2048x64x768xf32, #tpu.memory_space<hbm>> -> memref<64x1x768xf32, #tpu.memory_space<hbm>>
        %dma_wait3A_44 = arith.constant 0 : i32
        %dma_wait3A_45 = tpu.memref_slice %arg4[%mul3A_2, %add3A_30, %dma_wait3A_44] : memref<2048x64x768xf32, #tpu.memory_space<hbm>> -> memref<64x1x768xf32, #tpu.memory_space<hbm>>
        tpu.wait_dma2 semaphore(%run_scoped3A : memref<!tpu.dma_semaphore, #tpu.memory_space<semaphore_mem>>) src(%arg7 : memref<64x1x768xf32, #tpu.memory_space<vmem>>) dst(%dma_wait3A_45 : memref<64x1x768xf32, #tpu.memory_space<hbm>>)
        tpu.yield
      }) : () -> ()
      %add3A_31 = arith.constant 3 : i32
      %add3A_32 = arith.addi %mul3A_17, %add3A_31 : i32
      %lt3A_33 = arith.constant 64 : i32
      %lt3A_34 = arith.cmpi slt, %add3A_32, %lt3A_33 : i32
      %convert_element_type3A_35 = arith.extui %lt3A_34 : i1 to i32
      %cond3A_36 = arith.constant 0 : i32
      %cond3A_37 = arith.cmpi ne, %convert_element_type3A_35, %cond3A_36 : i32
      scf.if %cond3A_37 {
        %add3A_38 = arith.constant 3 : i32
        %add3A_39 = arith.addi %mul3A_17, %add3A_38 : i32
        %dma_start3A_40 = arith.constant 0 : i32
        %dma_start3A_41 = arith.constant 0 : i32
        %dma_start3A_42 = tpu.memref_slice %arg2[%dma_start3A_40, %add3A_39, %dma_start3A_41] : memref<128x64x768xf32, #tpu.memory_space<hbm>> -> memref<128x1x768xf32, #tpu.memory_space<hbm>>
        tpu.enqueue_indirect_dma source(%dma_start3A_42 : memref<128x1x768xf32, #tpu.memory_space<hbm>>) target(%arg7 : memref<64x1x768xf32, #tpu.memory_space<vmem>>) offsets(%arg5 : memref<64xi32, #tpu.memory_space<vmem>>) semaphore(%arg9 : memref<!tpu.dma_semaphore, #tpu.memory_space<semaphore_mem>>)
      } else {
      }
    }
    %scan3A_14 = arith.constant 32 : i32
    return
  }
}

module attributes {stable_mosaic.version = 14 : i64} {
  func.func @_table_kernel(%arg0: i32, %arg1: memref<128x1024xf32, #tpu.memory_space<vmem>>, %arg2: memref<1024x1024xf32, #tpu.memory_space<vmem>>, %arg3: memref<1x1024xf32, #tpu.memory_space<vmem>>, %arg4: memref<1024x2048xf32, #tpu.memory_space<vmem>>, %arg5: memref<1x2048xf32, #tpu.memory_space<vmem>>, %arg6: memref<128x2048xf32, #tpu.memory_space<vmem>>, %arg7: memref<128x1024xbf16, #tpu.memory_space<vmem>>) attributes {dimension_semantics = [#tpu.dimension_semantics<arbitrary>], iteration_bounds = array<i64: 24>, scalar_prefetch = 0 : i64, scratch_operands = 1 : i64, tpu.core_type = #tpu.core_type<tc>, window_params = [{pipeline_mode = #tpu.pipeline_mode<synchronous>, transform_indices = @transform_0, window_bounds = array<i64: 128, 1024>}, {pipeline_mode = #tpu.pipeline_mode<synchronous>, transform_indices = @transform_1, window_bounds = array<i64: 1024, 1024>}, {pipeline_mode = #tpu.pipeline_mode<synchronous>, transform_indices = @transform_2, window_bounds = array<i64: 1, 1024>}, {transform_indices = @transform_3, window_bounds = array<i64: 1024, 2048>}, {transform_indices = @transform_4, window_bounds = array<i64: 1, 2048>}, {transform_indices = @transform_5, window_bounds = array<i64: 128, 2048>}]} {
    %eq3A = arith.constant 0 : i32
    %eq3A_0 = arith.cmpi eq, %arg0, %eq3A : i32
    %convert_element_type3A = arith.extui %eq3A_0 : i1 to i32
    %cond3A = arith.constant 0 : i32
    %cond3A_1 = arith.cmpi ne, %convert_element_type3A, %cond3A : i32
    scf.if %cond3A_1 {
      %get3A_15 = arith.constant 0 : index
      %get3A_16 = arith.constant 0 : index
      %get3A_17 = vector.load %arg1[%get3A_15, %get3A_16] : memref<128x1024xf32, #tpu.memory_space<vmem>>, vector<128x1024xf32>
      %get3A_18 = arith.constant 0 : index
      %get3A_19 = arith.constant 0 : index
      %get3A_20 = vector.load %arg2[%get3A_18, %get3A_19] : memref<1024x1024xf32, #tpu.memory_space<vmem>>, vector<1024x1024xf32>
      %dot_general3A_21 = arith.constant dense<0.000000e+00> : vector<128x1024xf32>
      %dot_general3A_22 = tpu.matmul %get3A_17, %get3A_20, %dot_general3A_21 {dimension_numbers = #tpu.dot_dimension_numbers<[1], [0], [0], [1], [0, 0, 1, 1], [], []>, transpose_lhs_hint = false} : vector<128x1024xf32>, vector<1024x1024xf32>, vector<128x1024xf32> -> vector<128x1024xf32>
      %get3A_23 = arith.constant 0 : index
      %get3A_24 = arith.constant 0 : index
      %get3A_25 = vector.load %arg3[%get3A_23, %get3A_24] : memref<1x1024xf32, #tpu.memory_space<vmem>>, vector<1x1024xf32>
      %add3A_26 = vector.broadcast %get3A_25 : vector<1x1024xf32> to vector<128x1024xf32>
      %add3A_27 = arith.addf %dot_general3A_22, %add3A_26 : vector<128x1024xf32>
      %tanh3A = math.tanh %add3A_27 : vector<128x1024xf32>
      %convert_element_type3A_28 = arith.truncf %tanh3A : vector<128x1024xf32> to vector<128x1024xbf16>
      %swap3A_29 = arith.constant 0 : index
      %swap3A_30 = arith.constant 0 : index
      %swap3A_31 = vector.load %arg7[%swap3A_29, %swap3A_30] : memref<128x1024xbf16, #tpu.memory_space<vmem>>, vector<128x1024xbf16>
      tpu.vector_store %arg7[%swap3A_29, %swap3A_30], %convert_element_type3A_28 {strides = array<i32>} : memref<128x1024xbf16, #tpu.memory_space<vmem>>, vector<128x1024xbf16>,
    } else {
    }
    %get3A = arith.constant 0 : index
    %get3A_2 = arith.constant 0 : index
    %get3A_3 = vector.load %arg7[%get3A, %get3A_2] : memref<128x1024xbf16, #tpu.memory_space<vmem>>, vector<128x1024xbf16>
    %get3A_4 = arith.constant 0 : index
    %get3A_5 = arith.constant 0 : index
    %get3A_6 = vector.load %arg4[%get3A_4, %get3A_5] : memref<1024x2048xf32, #tpu.memory_space<vmem>>, vector<1024x2048xf32>
    %convert_element_type3A_7 = arith.truncf %get3A_6 : vector<1024x2048xf32> to vector<1024x2048xbf16>
    %dot_general3A = arith.constant dense<0.000000e+00> : vector<128x2048xf32>
    %dot_general3A_8 = tpu.matmul %get3A_3, %convert_element_type3A_7, %dot_general3A {dimension_numbers = #tpu.dot_dimension_numbers<[1], [0], [0], [1], [0, 0, 1, 1], [], []>, transpose_lhs_hint = false} : vector<128x1024xbf16>, vector<1024x2048xbf16>, vector<128x2048xf32> -> vector<128x2048xf32>
    %get3A_9 = arith.constant 0 : index
    %get3A_10 = arith.constant 0 : index
    %get3A_11 = vector.load %arg5[%get3A_9, %get3A_10] : memref<1x2048xf32, #tpu.memory_space<vmem>>, vector<1x2048xf32>
    %add3A = vector.broadcast %get3A_11 : vector<1x2048xf32> to vector<128x2048xf32>
    %add3A_12 = arith.addf %dot_general3A_8, %add3A : vector<128x2048xf32>
    %swap3A = arith.constant 0 : index
    %swap3A_13 = arith.constant 0 : index
    %swap3A_14 = vector.load %arg6[%swap3A, %swap3A_13] : memref<128x2048xf32, #tpu.memory_space<vmem>>, vector<128x2048xf32>
    tpu.vector_store %arg6[%swap3A, %swap3A_13], %add3A_12 {strides = array<i32>} : memref<128x2048xf32, #tpu.memory_space<vmem>>, vector<128x2048xf32>,
    return
  }
  func.func @transform_0(%arg0: i32) -> (i32, i32) {
    %c0_i32 = arith.constant 0 : i32
    %c0_i32_0 = arith.constant 0 : i32
    %c0_i32_1 = arith.constant 0 : i32
    return %c0_i32, %c0_i32_0 : i32, i32
  }
  func.func @transform_1(%arg0: i32) -> (i32, i32) {
    %c0_i32 = arith.constant 0 : i32
    %c0_i32_0 = arith.constant 0 : i32
    %c0_i32_1 = arith.constant 0 : i32
    return %c0_i32, %c0_i32_0 : i32, i32
  }
  func.func @transform_2(%arg0: i32) -> (i32, i32) {
    %c0_i32 = arith.constant 0 : i32
    %c0_i32_0 = arith.constant 0 : i32
    %c0_i32_1 = arith.constant 0 : i32
    return %c0_i32, %c0_i32_0 : i32, i32
  }
  func.func @transform_3(%arg0: i32) -> (i32, i32) {
    %c0_i32 = arith.constant 0 : i32
    %c0_i32_0 = arith.constant 0 : i32
    return %c0_i32, %arg0 : i32, i32
  }
  func.func @transform_4(%arg0: i32) -> (i32, i32) {
    %c0_i32 = arith.constant 0 : i32
    %c0_i32_0 = arith.constant 0 : i32
    return %c0_i32, %arg0 : i32, i32
  }
  func.func @transform_5(%arg0: i32) -> (i32, i32) {
    %c0_i32 = arith.constant 0 : i32
    %c0_i32_0 = arith.constant 0 : i32
    return %c0_i32, %arg0 : i32, i32
  }
}

</mosaic_0001>

<sc_bundles>
// kernel: kernel.4.cloned.1.call-start
scs
__scs_entry_jumppad:
0x0: {  	(pc) =	sbr.rel $0x88, $3  }
0x1: {  	(tag) =	ssettag $0x0;
	lr =	simm.s32 $0x1  }
0x2: {  	[smem:$0x3F9B] =	sst lr;
	_ =	strace $0xD0000000  }
0x3: {  	_ = 	snop  }
0x4: {  	_ = 	snop  }
0x5: {  	_ = 	snop  }
0x6: {  	_ = 	snop  }
0x7: {  	_ = 	snop  }
__scs_overlays_trampoline_lowered:
0x8: {  	[smem:$0x3FAA] =	sst s0  }
0x9: {  	[smem:$0x3FAB] =	sst s1  }
0xa: {  	[smem:$0x3FAC] =	sst s2  }
0xb: {  	[smem:$0x3FAD] =	sst s3  }
0xc: {  	[smem:$0x3FAE] =	sst s4  }
0xd: {  	[smem:$0x3FAF] =	sst s5  }
0xe: {  	[smem:$0x3FB0] =	sst s6  }
0xf: {  	[smem:$0x3FB1] =	sst s7  }
0x10: {  	[smem:$0x3FB2] =	sst s8  }
0x11: {  	[smem:$0x3FB3] =	sst s9;
	s0 =	simm.s32 @!p0 $0x0  }
0x12: {  	s1 =	sld [smem:$0x3F99];
	s0 =	simm.s32 @p0 $0x1  }
0x13: {  	[smem:$0x3FB4] =	sst s0;
	s0 =	simm.s32 @!p1 $0x0  }
0x14: {  	s2 =	sld [smem:$0x3F98];
	s0 =	simm.s32 @p1 $0x1  }
0x15: {  	[smem:$0x3FB5] =	sst s0;
	s0 =	simm.s32 @!p2 $0x0  }
0x16: {  	s3 =	sld [smem:$0x3FDB];
	s0 =	simm.s32 @p2 $0x1  }
0x17: {  	s4 =	simm.s32 $0x1BF5;
	[smem:$0x3FB7] =	sst s0  }
0x18: {  	s0 =	sld [smem:$0x3F9A];
	_ =	swait.ge [sflag:s4], $0x0  }
0x19: {  	s7 =	sld [smem:$0x3F9B]  }
0x1a: {  	s8 =	sadd.s32 $0xFFFFE003, lr  }
0x1b: {  	s9 =	sadd.s32 $0xFFFFFEF7, lr;
	s5 =	simm.s32 $0xFFFFFFFF;
	p2 =	slt.u32 s8, $0xFFFFF086  }
0x1c: {  	p1 =	slt.u32 s9, $0xF7A;
	s5 =	simm.s32 @!p2 $0x0  }
0x1d: {  	s5 =	simm.s32 @p1 $0x1;
	p0 =	seq.s32 s7, s2  }
0x1e: {  	s7 =	smul.u32 @!p0 $0xF7A, s2;
	p2 =	seq.s32 @!p0 s5, $0x0  }
0x1f: {  	s9 =	smul.u32 $0xF7A, s1;
	s8 =	simm.s32 @!p0 $0x1BF5;
	p2 =	por !p2, p0  }
0x20: {  	[sflag:s8] =	ssyncset.s32 @!p0 $0xFFFFF086;
	s6 =	sadd.s32 @!p0 s3, s7;
	s7 =	simm.s32 @!p0 $0x108  }
0x21: {  	s3 =	sadd.s32 s3, s9;
	s6 =	sadd.s32 @!p0 $0x88, s6;
	s7 =	simm.s32 @p2 $0x1082  }
0x22: {  	[simem:s7], [sflag:s8] =	dma.local @!p0 [hbm:s6], $0xF7A  }
0x23: {  	s9 =	sor.u32 $0xD0000000, s2;
	s6 =	simm.s32 $0x108;
	_ =	swait.ge @!p0 [sflag:s8], $0x0  }
0x24: {  	s3 =	sadd.s32 $0x88, s3;
	s6 =	simm.s32 @!p1 $0x1082;
	[sflag:s4] =	ssyncset.s32 $0xFFFFF086  }
0x25: {  	[simem:s6], [sflag:s4] =	dma.local [hbm:s3], $0xF7A  }
0x26: {  	[smem:$0x3F9B] =	sst s1;
	(tag) =	ssettag s2;
	_ =	strace s9  }
0x27: {  	s1 =	sld [smem:$0x3FAB]  }
0x28: {  	s2 =	sld [smem:$0x3FAC]  }
0x29: {  	s4 =	sld [smem:$0x3FAE]  }
0x2a: {  	p0 =	seq.s32 s5, $0x0;
	s5 =	sld [smem:$0x3FAF]  }
0x2b: {  	s6 =	sld [smem:$0x3FB0]  }
0x2c: {  	s7 =	sld [smem:$0x3FB1]  }
0x2d: {  	s3 =	simm.s32 $0x108;
	s8 =	sld [smem:$0x3FB2]  }
0x2e: {  	s3 =	simm.s32 @!p0 $0x1082;
	s9 =	sld [smem:$0x3FB3]  }
0x2f: {  	lr =	sadd.s32 s0, s3;
	s0 =	sld [smem:$0x3FAA]  }
0x30: {  	s3 =	sld [smem:$0x3FAD]  }
0x31: {  	[smem:$0x3FB6] =	sst s10  }
0x32: {  	s10 =	sld [smem:$0x3FB4];
	_ =	sdelay $0x3  }
0x33: {  	p0 =	seq.s32 s10, $0x1;
	s10 =	sld [smem:$0x3FB6];
	_ =	sdelay $0x3  }
0x34: {  	[smem:$0x3FB6] =	sst s10  }
0x35: {  	s10 =	sld [smem:$0x3FB5];
	_ =	sdelay $0x3  }
0x36: {  	p1 =	seq.s32 s10, $0x1;
	s10 =	sld [smem:$0x3FB6];
	_ =	sdelay $0x3  }
0x37: {  	[smem:$0x3FB6] =	sst s10  }
0x38: {  	s10 =	sld [smem:$0x3FB7]  }
0x39: {  	_ = 	snop;
	(pc) =	sbr.ind lr, $3  }
0x3a: {  	_ = 	snop  }
0x3b: {  	_ = 	snop  }
0x3c: {  	p2 =	seq.s32 s10, $0x1;
	s10 =	sld [smem:$0x3FB6]  }
0x3d: {  	_ =	shalt  }
0x3e: {  	_ =	shalt  }
0x3f: {  	_ =	shalt  }
0x40: {  	_ =	shalt  }
0x41: {  	_ =	shalt  }
0x42: {  	_ =	shalt  }
0x43: {  	_ =	shalt  }
0x44: {  	_ =	shalt  }
0x45: {  	_ =	shalt  }
0x46: {  	_ =	shalt  }
0x47: {  	_ =	shalt  }
0x48: {  	_ =	shalt  }
0x49: {  	_ =	shalt  }
0x4a: {  	_ =	shalt  }
0x4b: {  	_ =	shalt  }
0x4c: {  	_ =	shalt  }
0x4d: {  	_ =	shalt  }
0x4e: {  	_ =	shalt  }
0x4f: {  	_ =	shalt  }
0x50: {  	_ =	shalt  }
0x51: {  	_ =	shalt  }
0x52: {  	_ =	shalt  }
0x53: {  	_ =	shalt  }
0x54: {  	_ =	shalt  }
0x55: {  	_ =	shalt  }
0x56: {  	_ =	shalt  }
0x57: {  	_ =	shalt  }
0x58: {  	_ =	shalt  }
0x59: {  	_ =	shalt  }
0x5a: {  	_ =	shalt  }
0x5b: {  	_ =	shalt  }
0x5c: {  	_ =	shalt  }
0x5d: {  	_ =	shalt  }
0x5e: {  	_ =	shalt  }
0x5f: {  	_ =	shalt  }
0x60: {  	_ =	shalt  }
0x61: {  	_ =	shalt  }
0x62: {  	_ =	shalt  }
0x63: {  	_ =	shalt  }
0x64: {  	_ =	shalt  }
0x65: {  	_ =	shalt  }
0x66: {  	_ =	shalt  }
0x67: {  	_ =	shalt  }
0x68: {  	_ =	shalt  }
0x69: {  	_ =	shalt  }
0x6a: {  	_ =	shalt  }
0x6b: {  	_ =	shalt  }
0x6c: {  	_ =	shalt  }
0x6d: {  	_ =	shalt  }
0x6e: {  	_ =	shalt  }
0x6f: {  	_ =	shalt  }
0x70: {  	_ =	shalt  }
0x71: {  	_ =	shalt  }
0x72: {  	_ =	shalt  }
0x73: {  	_ =	shalt  }
0x74: {  	_ =	shalt  }
0x75: {  	_ =	shalt  }
0x76: {  	_ =	shalt  }
0x77: {  	_ =	shalt  }
0x78: {  	_ =	shalt  }
0x79: {  	_ =	shalt  }
0x7a: {  	_ =	shalt  }
0x7b: {  	_ =	shalt  }
0x7c: {  	_ =	shalt  }
0x7d: {  	_ =	shalt  }
0x7e: {  	_ =	shalt  }
0x7f: {  	_ =	shalt  }
0x80: {  	_ =	shalt  }
0x81: {  	_ =	shalt  }
0x82: {  	_ =	shalt  }
0x83: {  	_ =	shalt  }
0x84: {  	_ =	shalt  }
0x85: {  	_ =	shalt  }
0x86: {  	_ =	shalt  }
0x87: {  	_ =	shalt  }
.Lfunc_end0:
.L_simem_size_0:
called_computation_lowered:
.L_overlay_start_0:
0x88: {  	s2 =	sld [smem:$0x3FD9]  }
0x89: {  	s3 =	sld [smem:$0x3FFE];
	_ =	sdelay $0x1  }
0x8a: {  	s1 =	srdreg.scid  }
0x8b: {  	s0 =	sand.u32 $0x1, s1  }
0x8c: {  	s17 =	sshll.u32 s0, $0xA;
	s2 =	sadd.s32 s3, s2  }
0x8d: {  	s2 =	sadd.s32 s2, s17  }
0x8e: {  	[smem:$0x3FC2] =	sst s2  }
0x8f: {  	_ = 	snop  }
0x90: {  	s2 =	sld [smem:$0x3FC9];
	(tm) =	ssettm $0x1  }
0x91: {  	s18 =	sld [smem:$0x3FFB];
	_ =	sdelay $0x3  }
0x92: {  	_ =	strace s18  }
0x93: {  	s3 =	sld [smem:$0x3FFC];
	_ =	sdelay $0x3  }
0x94: {  	_ =	strace s3  }
0x95: {  	s3 =	sld [smem:$0x3FFD];
	_ =	sdelay $0x3  }
0x96: {  	_ =	strace s3  }
0x97: {  	_ =	strace $0x8FFFFFFF  }
0x98: {  	s19 =	sld [smem:$0x3FDB];
	_ =	sdelay $0x1  }
0x99: {  	s4 =	simm.s32 $_scs_section_size  }
0x9a: {  	s5 =	simm.s32 $_size__tile_overlayer_lowered;
	s6 =	simm.s32 $_tile_overlayer_lowered  }
0x9b: {  	s22 =	simm.s32 $0x1BFF;
	s21 =	sshll.u32 s6, $0x1;
	s3 =	sadd.s32 s4, s19  }
0x9c: {  	s7 =	simm.s32 $0x0;
	s20 =	sshll.u32 s5, $0x1;
	s5 =	sadd.s32 s21, s3  }
0x9d: {  	[timem:s7], [sflag:s22] =	dma.local [hbm:s5], s20  }
0x9e: {  	_ =	swait.ge [sflag:s22], s20  }
0x9f: {  	s4 =	ssub.s32 $0x0, s20;
	[sflag:s22] =	ssyncset.done $0x0  }
0xa0: {  	[sflag:s22] =	ssyncadd.s32 s4;
	_ =	sdelay $0x1  }
0xa1: {  	s23 =	simm.s32 $0x1B8B  }
0xa2: {  	_ =	swait.ge [sflag:s23], $0x1  }
0xa3: {  	[sflag:s23] =	ssyncset.done $0x0  }
0xa4: {  	s25 =	simm.s32 $0x1B8E;
	s24 =	sld [smem:$0x3FFE];
	[sflag:s23] =	ssyncadd.s32 $0xFFFFFFFF  }
0xa5: {  	s26 =	simm.s32 $execute0_lowered;
	[smem:$0x3FD2] =	sst s25  }
0xa6: {  	s5 =	sshll.u32 s26, $0x1;
	_ =	strace $0x80000046;
	[dreg:$0x1] =	wrdreg $0xFFFFFFFF  }
0xa7: {  	s28 =	simm.s32 $_size_execute0_lowered;
	s3 =	sadd.s32 s3, s5;
	[dreg:$0x0] =	wrdreg $0x0  }
0xa8: {  	s5 =	sshll.u32 s28, $0x1;
	[dreg:$0x2] =	wrdreg s3  }
0xa9: {  	[dreg:$0x3] =	wrdreg s5  }
0xaa: {  	[dreg:$0x4] =	wrdreg $0xC0  }
0xab: {  	_ =	task [dreg:s7], $0x5FFFF  }
0xac: {  	[dreg:$0x1] =	wrdreg $0xFFFFFFFF  }
0xad: {  	[dreg:$0x0] =	wrdreg $0x60  }
0xae: {  	[dreg:$0x2] =	wrdreg s24  }
0xaf: {  	[dreg:$0x3] =	wrdreg s2  }
0xb0: {  	[dreg:$0x4] =	wrdreg $0x9  }
0xb1: {  	_ =	task.clear_ibuf [dreg:s7], $0x5FFFF;
	_ =	strace $0x90000046  }
0xb2: {  	s29 =	simm.s32 $0x9;
	_ =	strace $0x80000048  }
0xb3: {  	_ =	swait.ge [sflag:s29], $0x1  }
0xb4: {  	[sflag:s29] =	ssyncadd.s32 $0xFFFFFFFF  }
0xb5: {  	_ =	strace $0x90000048  }
0xb6: {  	_ =	sfence  }
0xb7: {  	s30 =	sld [smem:$0x0];
	_ =	sdelay $0x2  }
0xb8: {  	s31 =	sshll.u32 s1, $0xD;
	s1 =	sshrl.u32 s1, $0x2  }
0xb9: {  	s3 =	sand.u32 $0x4000, s31;
	s1 =	sadd.s32 s1, s30  }
0xba: {  	s0 =	sor.u32 s3, s0;
	s1 =	sshll.u32 s1, $0x11  }
0xbb: {  	s0 =	sor.u32 s1, s0  }
0xbc: {  	s0 =	sadd.s32 $0x8F2B, s0  }
0xbd: {  	[sflag:s0] =	ssyncadd.remote.s32 $0x1  }
0xbe: {  	_ =	sfence.sel $0xFFFF  }
0xbf: {  	[dreg:$0x0] =	wrdreg $0xFFFFFFFF;
	(pc) =	sbr.abs _section_cstart, $3  }
0xc0: {  	[dreg:$0x1] =	wrdreg $0xFFFFFFFF  }
0xc1: {  	_ =	task.clear_ibuf [dreg:s7], $0x2FFFF;
	_ =	strace $0x9FFFFFFF  }
0xc2: {  	(tm) =	ssettm $0x7FFFFFFF  }
0xc3: {  	_ =	shalt  }
tec
execute0_lowered:
.L_overlay_start_1:
0x0: {  	(tag) =	ssettag $0x1  }
0x1: {  	vm2 =	vcmask $0x300;
	v0 =	vimm.s32 $0xC00;
	vm3 =	vcmask $0x704  }
0x2: {  	vm4 =	vcmask $0xB08;
	vm5 =	vcmask $0x1310;
	vm1 =	vcmask $0x1714  }
0x3: {  	vm0 =	vcmask $0x1B18;
	v1 =	vimm.s32 $0x400;
	v2 =	vimm.s32 $0x1400  }
0x4: {  	v3 =	vimm.s32 $0x2;
	vm15 =	vcmask $0x2F2C;
	v4 =	vimm.s32 $0x3030202  }
0x5: {  	v5 =	vimm.s32 $0xB0B0A0A;
	v8 =	vimm.s32 $0xF;
	v0 =	vsel vm2, $0x0, v0  }
0x6: {  	v1 =	vsel vm2, $0x1000, v1;
	v2 =	vsel vm2, $0x800, v2;
	vm2 =	vcmask $0x1F1C  }
0x7: {  	v4 =	vunpack.c.0.s8.s32 v4;
	v5 =	vunpack.c.0.s8.s32 v5;
	v0 =	vsel vm3, $0x400, v0  }
0x8: {  	v1 =	vsel vm3, $0x1400, v1;
	v2 =	vsel vm3, $0xC00, v2;
	vm3 =	vcmask $0x2320  }
0x9: {  	v0 =	vsel vm4, $0x800, v0;
	v1 =	vsel vm4, $0x0, v1;
	v2 =	vsel vm4, $0x1000, v2  }
0xa: {  	v0 =	vsel vm5, $0x1000, v0;
	v1 =	vsel vm5, $0x800, v1;
	v2 =	vsel vm5, $0x0, v2  }
0xb: {  	v0 =	vsel vm1, $0x1400, v0;
	v1 =	vsel vm1, $0xC00, v1;
	v2 =	vsel vm1, $0x400, v2  }
0xc: {  	vm1 =	vcmask $0x2B28;
	v0 =	vsel vm0, $0x0, v0;
	v1 =	vsel vm0, $0x1000, v1  }
0xd: {  	s0 =	rddreg [dreg:$0x0];
	v2 =	vsel vm0, $0x800, v2;
	vm0 =	vcmask $0x1700;
	v0 =	vsel vm2, $0x400, v0  }
0xe: {  	s1 =	rddreg [dreg:$0x1];
	v1 =	vsel vm2, $0x1400, v1;
	v2 =	vsel vm2, $0xC00, v2;
	vm2 =	vcmask $0x3330  }
0xf: {  	s2 =	simm.s32 $0x0;
	s3 =	srdreg.scid;
	s4 =	stileid.u32;
	v3 =	vsel vm0, $0x0, v3;
	v0 =	vsel vm3, $0x800, v0;
	v1 =	vsel vm3, $0x0, v1  }
0x10: {  	s10 =	simm.s32 $0x3;
	s11 =	simm.s32 $0x80;
	s22 =	simm.s32 $0x11080;
	v2 =	vsel vm3, $0x1000, v2;
	vm3 =	vcmask $0x3B38;
	v0 =	vsel vm1, $0x1000, v0  }
0x11: {  	s23 =	simm.s32 $0x11880;
	s24 =	simm.s32 $0x12080;
	s25 =	simm.s32 $0x12880;
	v1 =	vsel vm1, $0x800, v1;
	v2 =	vsel vm1, $0x0, v2;
	vm1 =	vcmask $0x3734  }
0x12: {  	s28 =	simm.s32 $0x13880;
	s29 =	simm.s32 $0x14080;
	s30 =	simm.s32 $0x14880;
	v0 =	vsel vm15, $0x1400, v0;
	v1 =	vsel vm15, $0xC00, v1;
	v2 =	vsel vm15, $0x400, v2  }
0x13: {  	s31 =	simm.s32 $0x15080;
	s9 =	simm.s32 $0x17080;
	s12 =	simm.s32 $0x17880;
	v0 =	vsel vm2, $0x0, v0;
	v1 =	vsel vm2, $0x1000, v1;
	v2 =	vsel vm2, $0x800, v2  }
0x14: {  	s13 =	simm.s32 $0x1;
	s14 =	simm.s32 $0x400;
	s15 =	simm.s32 $0x2;
	vm2 =	vcmask $0x2F18;
	v0 =	vsel vm1, $0x400, v0;
	v1 =	vsel vm1, $0x1400, v1  }
0x15: {  	s17 =	simm.s32 $0x0;
	s3 =	sand.u32 $0x1, s3;
	s4 =	sshll.u32 s4, $0x1;
	v2 =	vsel vm1, $0xC00, v2;
	vm1 =	vcmask $0xF00;
	v3 =	vsel vm2, $0x1, v3  }
0x16: {  	[smem:$0x7FF] =	sst s2;
	s5 =	sadd.s32 $0xC0C00, s0;
	s7 =	sor.u32 s3, s4;
	v0 =	vsel vm3, $0x800, v0;
	v4 =	vnsel vm1, $0x5, v4;
	v1 =	vsel vm3, $0x0, v1  }
0x17: {  	_ =	strace $0x80000047;
	s6 =	ssub.s32 $0x2, s3;
	s4 =	smul.u32 $0x300000, s7;
	v2 =	vsel vm3, $0x1000, v2;
	vm3 =	vcmask $0x1F10;
	v5 =	vnsel vm1, $0xD, v5  }
.Ltmp0:
0x18: {  	s8 =	sshrl.u32 s6, $0x1;
	s7 =	sshll.u32 s7, $0x3;
	v8 =	vsel vm1, $0xD, v8;
	v6 =	vsel vm3, $0x3, v4;
	v4 =	vimm.s32 $0xA;
	(pc) =	sbr.rel .LBB2_1-.Ltmp0, $4  }
0x19: {  	s3 =	sadd.s32 $0xC00, s0;
	s6 =	ssub.s32 s6, s8;
	s1 =	sadd.s32 s1, s7;
	v7 =	vsel vm3, $0xB, v5;
	v4 =	vsel vm0, $0x8, v4;
	vm0 =	vcmask $0x3720  }
0x1a: {  	s7 =	sadd.s32 $0xC10, s0;
	s0 =	simm.s32 $0x15880;
	[dreg:$0x3] =	wrdreg s1;
	v5 =	vsel vm0, $0x4, v6;
	v6 =	vsel vm0, $0xC, v7;
	v7 =	vimm.s32 $0x7  }
0x1b: {  	s8 =	sor.u32 $0x80, s4;
	s26 =	smax.u32 s6, $0x1;
	s1 =	simm.s32 $0x16080;
	v4 =	vsel vm2, $0x9, v4;
	vm0 =	vcmask $0x2710;
	v7 =	vsel vm1, $0x5, v7  }
0x1c: {  	s6 =	simm.s32 $0x16880;
	[dreg:$0x4] =	wrdreg s26;
	s26 =	simm.s32 $0x13080;
	v8 =	vsel vm0, $0xE, v8;
	v7 =	vsel vm0, $0x6, v7;
	vm0 =	vmmov $0xffff  }
.LBB2_10:
0x1d: {  	s17 =	rddreg [dreg:$0x5]  }
0x1e: {  	s16 =	rddreg [dreg:$0x4];
	s17 =	sadd.s32 $0x1, s17  }
0x1f: {  	p0 =	sne.s32 s17, s16  }
.Ltmp1:
0x20: {  	_ = 	snop;
	(pc) =	sbr.rel @!p0 .LBB2_11-.Ltmp1, $1  }
0x21: {  	_ =	sdelay $0x3  }
.LBB2_1:
0x22: {  	[dreg:$0x5] =	wrdreg s17  }
0x23: {  	s16 =	rddreg [dreg:$0x3]  }
0x24: {  	[tilespmem:s2], [sflag:$0x3] =	stream.linear.gather [hbm4b:s16+s2], $0x40, $0x38;
	[tilespmem:$0x18080] =	vst v63  }
0x25: {  	_ =	swait.ge [sflag:s10], $0x40  }
0x26: {  	[sflag:s10] =	ssyncset.done $0x0  }
0x27: {  	[sflag:s10] =	ssyncadd.s32 $0xFFFFFFC0  }
0x28: {  	v9 =	vld [tilespmem:$0x0];
	_ =	sdelay $0x4  }
0x29: {  	v9 =	vmul.u32 $0xC000, v9;
	_ =	sdelay $0x1  }
0x2a: {  	v10 =	vperm.xlane v9, v3;
	_ =	sdelay $0x1  }
0x2b: {  	v11 =	vperm.xlane v9, v5;
	v10 =	vadd.s32 v0, v10;
	_ =	sdelay $0x1  }
0x2c: {  	v12 =	vperm.xlane v9, v7;
	v11 =	vadd.s32 v1, v11;
	_ =	sdelay $0x1  }
0x2d: {  	v13 =	vperm.xlane v9, v4;
	v12 =	vadd.s32 v2, v12  }
0x2e: {  	[tilespmem:s11], [sflag:$0x1] =	stream.indirect_vreg.gather [hbm4b:s3+s2], $0x80, v10, vm0, $0x38;
	[tilespmem:$0x18080] =	vst v63  }
0x2f: {  	s19 =	simm.s32 $0x880;
	v42 =	vperm.xlane v9, v6;
	v10 =	vadd.s32 v0, v13  }
0x30: {  	[tilespmem:s19], [sflag:$0x1] =	stream.indirect_vreg.gather [hbm4b:s3+s2], $0x80, v11, vm0, $0x38;
	[tilespmem:$0x18080] =	vst v63  }
0x31: {  	s20 =	simm.s32 $0x1080;
	v9 =	vperm.xlane v9, v8;
	v11 =	vadd.s32 v1, v42  }
0x32: {  	[tilespmem:s20], [sflag:$0x1] =	stream.indirect_vreg.gather [hbm4b:s3+s2], $0x80, v12, vm0, $0x38;
	[tilespmem:$0x18080] =	vst v63  }
0x33: {  	s21 =	simm.s32 $0x1880;
	v9 =	vadd.s32 v2, v9  }
0x34: {  	[tilespmem:s21], [sflag:$0x1] =	stream.indirect_vreg.gather [hbm4b:s3+s2], $0x80, v10, vm0, $0x38;
	[tilespmem:$0x18080] =	vst v63  }
0x35: {  	s17 =	simm.s32 $0x2080  }
0x36: {  	[tilespmem:s17], [sflag:$0x1] =	stream.indirect_vreg.gather [hbm4b:s3+s2], $0x80, v11, vm0, $0x38;
	[tilespmem:$0x18080] =	vst v63  }
0x37: {  	s18 =	simm.s32 $0x2880  }
0x38: {  	[tilespmem:s18], [sflag:$0x1] =	stream.indirect_vreg.gather [hbm4b:s3+s2], $0x80, v9, vm0, $0x38;
	[tilespmem:$0x18080] =	vst v63  }
0x39: {  	v9 =	vld [tilespmem:$0x10];
	_ =	sdelay $0x4  }
0x3a: {  	v9 =	vmul.u32 $0xC000, v9;
	_ =	sdelay $0x1  }
0x3b: {  	v10 =	vperm.xlane v9, v3;
	_ =	sdelay $0x1  }
0x3c: {  	v11 =	vperm.xlane v9, v5;
	v10 =	vadd.s32 v0, v10;
	_ =	sdelay $0x1  }
0x3d: {  	v43 =	vperm.xlane v9, v7;
	v11 =	vadd.s32 v1, v11;
	_ =	sdelay $0x1  }
0x3e: {  	s19 =	simm.s32 $0x3080;
	v44 =	vperm.xlane v9, v4;
	v12 =	vadd.s32 v2, v43  }
0x3f: {  	[tilespmem:s19], [sflag:$0x1] =	stream.indirect_vreg.gather [hbm4b:s3+s2], $0x80, v10, vm0, $0x38;
	[tilespmem:$0x18080] =	vst v63  }
0x40: {  	s20 =	simm.s32 $0x3880;
	v45 =	vperm.xlane v9, v6;
	v10 =	vadd.s32 v0, v44  }
0x41: {  	[tilespmem:s20], [sflag:$0x1] =	stream.indirect_vreg.gather [hbm4b:s3+s2], $0x80, v11, vm0, $0x38;
	[tilespmem:$0x18080] =	vst v63  }
0x42: {  	s21 =	simm.s32 $0x4080;
	v9 =	vperm.xlane v9, v8;
	v11 =	vadd.s32 v1, v45  }
0x43: {  	[tilespmem:s21], [sflag:$0x1] =	stream.indirect_vreg.gather [hbm4b:s3+s2], $0x80, v12, vm0, $0x38;
	[tilespmem:$0x18080] =	vst v63  }
0x44: {  	s17 =	simm.s32 $0x4880;
	v9 =	vadd.s32 v2, v9  }
0x45: {  	[tilespmem:s17], [sflag:$0x1] =	stream.indirect_vreg.gather [hbm4b:s3+s2], $0x80, v10, vm0, $0x38;
	[tilespmem:$0x18080] =	vst v63  }
0x46: {  	s18 =	simm.s32 $0x5080  }
0x47: {  	[tilespmem:s18], [sflag:$0x1] =	stream.indirect_vreg.gather [hbm4b:s3+s2], $0x80, v11, vm0, $0x38;
	[tilespmem:$0x18080] =	vst v63  }
0x48: {  	s19 =	simm.s32 $0x5880  }
0x49: {  	[tilespmem:s19], [sflag:$0x1] =	stream.indirect_vreg.gather [hbm4b:s3+s2], $0x80, v9, vm0, $0x38;
	[tilespmem:$0x18080] =	vst v63  }
0x4a: {  	v9 =	vld [tilespmem:$0x20];
	_ =	sdelay $0x4  }
0x4b: {  	v9 =	vmul.u32 $0xC000, v9;
	_ =	sdelay $0x1  }
0x4c: {  	v10 =	vperm.xlane v9, v3;
	_ =	sdelay $0x1  }
0x4d: {  	v11 =	vperm.xlane v9, v5;
	v10 =	vadd.s32 v0, v10;
	_ =	sdelay $0x1  }
0x4e: {  	v46 =	vperm.xlane v9, v7;
	v11 =	vadd.s32 v1, v11;
	_ =	sdelay $0x1  }
0x4f: {  	s20 =	simm.s32 $0x6080;
	v47 =	vperm.xlane v9, v4;
	v12 =	vadd.s32 v2, v46  }
0x50: {  	[tilespmem:s20], [sflag:$0x1] =	stream.indirect_vreg.gather [hbm4b:s3+s2], $0x80, v10, vm0, $0x38;
	[tilespmem:$0x18080] =	vst v63  }
0x51: {  	s21 =	simm.s32 $0x6880;
	v48 =	vperm.xlane v9, v6;
	v10 =	vadd.s32 v0, v47  }
0x52: {  	[tilespmem:s21], [sflag:$0x1] =	stream.indirect_vreg.gather [hbm4b:s3+s2], $0x80, v11, vm0, $0x38;
	[tilespmem:$0x18080] =	vst v63  }
0x53: {  	s17 =	simm.s32 $0x7080;
	v9 =	vperm.xlane v9, v8;
	v11 =	vadd.s32 v1, v48  }
0x54: {  	[tilespmem:s17], [sflag:$0x1] =	stream.indirect_vreg.gather [hbm4b:s3+s2], $0x80, v12, vm0, $0x38;
	[tilespmem:$0x18080] =	vst v63  }
0x55: {  	s18 =	simm.s32 $0x7880;
	v9 =	vadd.s32 v2, v9  }
0x56: {  	[tilespmem:s18], [sflag:$0x1] =	stream.indirect_vreg.gather [hbm4b:s3+s2], $0x80, v10, vm0, $0x38;
	[tilespmem:$0x18080] =	vst v63  }
0x57: {  	s19 =	simm.s32 $0x8080  }
0x58: {  	[tilespmem:s19], [sflag:$0x1] =	stream.indirect_vreg.gather [hbm4b:s3+s2], $0x80, v11, vm0, $0x38;
	[tilespmem:$0x18080] =	vst v63  }
0x59: {  	s20 =	simm.s32 $0x8880  }
0x5a: {  	[tilespmem:s20], [sflag:$0x1] =	stream.indirect_vreg.gather [hbm4b:s3+s2], $0x80, v9, vm0, $0x38;
	[tilespmem:$0x18080] =	vst v63  }
0x5b: {  	v9 =	vld [tilespmem:$0x30];
	_ =	sdelay $0x4  }
0x5c: {  	v9 =	vmul.u32 $0xC000, v9;
	_ =	sdelay $0x1  }
0x5d: {  	v10 =	vperm.xlane v9, v3;
	_ =	sdelay $0x1  }
0x5e: {  	v11 =	vperm.xlane v9, v5;
	v10 =	vadd.s32 v0, v10;
	_ =	sdelay $0x1  }
0x5f: {  	v49 =	vperm.xlane v9, v7;
	v11 =	vadd.s32 v1, v11;
	_ =	sdelay $0x1  }
0x60: {  	s21 =	simm.s32 $0x9080;
	v50 =	vperm.xlane v9, v4;
	v12 =	vadd.s32 v2, v49  }
0x61: {  	[tilespmem:s21], [sflag:$0x1] =	stream.indirect_vreg.gather [hbm4b:s3+s2], $0x80, v10, vm0, $0x38;
	[tilespmem:$0x18080] =	vst v63  }
0x62: {  	s17 =	simm.s32 $0x9880;
	v51 =	vperm.xlane v9, v6;
	v10 =	vadd.s32 v0, v50  }
0x63: {  	[tilespmem:s17], [sflag:$0x1] =	stream.indirect_vreg.gather [hbm4b:s3+s2], $0x80, v11, vm0, $0x38;
	[tilespmem:$0x18080] =	vst v63  }
0x64: {  	s18 =	simm.s32 $0xA080;
	v9 =	vperm.xlane v9, v8;
	v11 =	vadd.s32 v1, v51  }
0x65: {  	[tilespmem:s18], [sflag:$0x1] =	stream.indirect_vreg.gather [hbm4b:s3+s2], $0x80, v12, vm0, $0x38;
	[tilespmem:$0x18080] =	vst v63  }
0x66: {  	s19 =	simm.s32 $0xA880;
	v9 =	vadd.s32 v2, v9  }
0x67: {  	[tilespmem:s19], [sflag:$0x1] =	stream.indirect_vreg.gather [hbm4b:s3+s2], $0x80, v10, vm0, $0x38;
	[tilespmem:$0x18080] =	vst v63  }
0x68: {  	s20 =	simm.s32 $0xB080  }
0x69: {  	[tilespmem:s20], [sflag:$0x1] =	stream.indirect_vreg.gather [hbm4b:s3+s2], $0x80, v11, vm0, $0x38;
	[tilespmem:$0x18080] =	vst v63  }
0x6a: {  	s21 =	simm.s32 $0xB880  }
0x6b: {  	[tilespmem:s21], [sflag:$0x1] =	stream.indirect_vreg.gather [hbm4b:s3+s2], $0x80, v9, vm0, $0x38;
	[tilespmem:$0x18080] =	vst v63  }
0x6c: {  	v9 =	vld [tilespmem:$0x0];
	_ =	sdelay $0x4  }
0x6d: {  	v9 =	vmul.u32 $0xC000, v9;
	_ =	sdelay $0x1  }
0x6e: {  	v10 =	vperm.xlane v9, v3;
	_ =	sdelay $0x1  }
0x6f: {  	v11 =	vperm.xlane v9, v5;
	v10 =	vadd.s32 v0, v10;
	_ =	sdelay $0x1  }
0x70: {  	v52 =	vperm.xlane v9, v7;
	v11 =	vadd.s32 v1, v11;
	_ =	sdelay $0x1  }
0x71: {  	s17 =	simm.s32 $0xC080;
	v53 =	vperm.xlane v9, v4;
	v12 =	vadd.s32 v2, v52  }
0x72: {  	[tilespmem:s17], [sflag:$0x2] =	stream.indirect_vreg.gather [hbm4b:s7+s2], $0x80, v10, vm0, $0x38;
	[tilespmem:$0x18080] =	vst v63  }
0x73: {  	s18 =	simm.s32 $0xC880;
	v54 =	vperm.xlane v9, v6;
	v10 =	vadd.s32 v0, v53  }
0x74: {  	[tilespmem:s18], [sflag:$0x2] =	stream.indirect_vreg.gather [hbm4b:s7+s2], $0x80, v11, vm0, $0x38;
	[tilespmem:$0x18080] =	vst v63  }
0x75: {  	s19 =	simm.s32 $0xD080;
	v9 =	vperm.xlane v9, v8;
	v11 =	vadd.s32 v1, v54  }
0x76: {  	[tilespmem:s19], [sflag:$0x2] =	stream.indirect_vreg.gather [hbm4b:s7+s2], $0x80, v12, vm0, $0x38;
	[tilespmem:$0x18080] =	vst v63  }
0x77: {  	s20 =	simm.s32 $0xD880;
	v9 =	vadd.s32 v2, v9  }
0x78: {  	[tilespmem:s20], [sflag:$0x2] =	stream.indirect_vreg.gather [hbm4b:s7+s2], $0x80, v10, vm0, $0x38;
	[tilespmem:$0x18080] =	vst v63  }
0x79: {  	s21 =	simm.s32 $0xE080  }
0x7a: {  	[tilespmem:s21], [sflag:$0x2] =	stream.indirect_vreg.gather [hbm4b:s7+s2], $0x80, v11, vm0, $0x38;
	[tilespmem:$0x18080] =	vst v63  }
0x7b: {  	s17 =	simm.s32 $0xE880  }
0x7c: {  	[tilespmem:s17], [sflag:$0x2] =	stream.indirect_vreg.gather [hbm4b:s7+s2], $0x80, v9, vm0, $0x38;
	[tilespmem:$0x18080] =	vst v63  }
0x7d: {  	v9 =	vld [tilespmem:$0x10];
	_ =	sdelay $0x4  }
0x7e: {  	v9 =	vmul.u32 $0xC000, v9;
	_ =	sdelay $0x1  }
0x7f: {  	v10 =	vperm.xlane v9, v3;
	_ =	sdelay $0x1  }
0x80: {  	v11 =	vperm.xlane v9, v5;
	v10 =	vadd.s32 v0, v10;
	_ =	sdelay $0x1  }
0x81: {  	v55 =	vperm.xlane v9, v7;
	v11 =	vadd.s32 v1, v11;
	_ =	sdelay $0x1  }
0x82: {  	s18 =	simm.s32 $0xF080;
	v56 =	vperm.xlane v9, v4;
	v12 =	vadd.s32 v2, v55  }
0x83: {  	[tilespmem:s18], [sflag:$0x2] =	stream.indirect_vreg.gather [hbm4b:s7+s2], $0x80, v10, vm0, $0x38;
	[tilespmem:$0x18080] =	vst v63  }
0x84: {  	s19 =	simm.s32 $0xF880;
	v57 =	vperm.xlane v9, v6;
	v10 =	vadd.s32 v0, v56  }
0x85: {  	[tilespmem:s19], [sflag:$0x2] =	stream.indirect_vreg.gather [hbm4b:s7+s2], $0x80, v11, vm0, $0x38;
	[tilespmem:$0x18080] =	vst v63  }
0x86: {  	s20 =	simm.s32 $0x10080;
	v9 =	vperm.xlane v9, v8;
	v11 =	vadd.s32 v1, v57  }
0x87: {  	[tilespmem:s20], [sflag:$0x2] =	stream.indirect_vreg.gather [hbm4b:s7+s2], $0x80, v12, vm0, $0x38;
	[tilespmem:$0x18080] =	vst v63  }
0x88: {  	s21 =	simm.s32 $0x10880;
	v9 =	vadd.s32 v2, v9  }
0x89: {  	[tilespmem:s21], [sflag:$0x2] =	stream.indirect_vreg.gather [hbm4b:s7+s2], $0x80, v10, vm0, $0x38;
	[tilespmem:$0x18080] =	vst v63  }
0x8a: {  	_ = 	snop  }
0x8b: {  	[tilespmem:s22], [sflag:$0x2] =	stream.indirect_vreg.gather [hbm4b:s7+s2], $0x80, v11, vm0, $0x38;
	[tilespmem:$0x18080] =	vst v63  }
0x8c: {  	_ = 	snop  }
0x8d: {  	[tilespmem:s23], [sflag:$0x2] =	stream.indirect_vreg.gather [hbm4b:s7+s2], $0x80, v9, vm0, $0x38;
	[tilespmem:$0x18080] =	vst v63  }
0x8e: {  	v9 =	vld [tilespmem:$0x20];
	_ =	sdelay $0x4  }
0x8f: {  	v9 =	vmul.u32 $0xC000, v9;
	_ =	sdelay $0x1  }
0x90: {  	v10 =	vperm.xlane v9, v3;
	_ =	sdelay $0x1  }
0x91: {  	v11 =	vperm.xlane v9, v5;
	v10 =	vadd.s32 v0, v10;
	_ =	sdelay $0x1  }
0x92: {  	v58 =	vperm.xlane v9, v7;
	v11 =	vadd.s32 v1, v11;
	_ =	sdelay $0x1  }
0x93: {  	v59 =	vperm.xlane v9, v4;
	v12 =	vadd.s32 v2, v58  }
0x94: {  	[tilespmem:s24], [sflag:$0x2] =	stream.indirect_vreg.gather [hbm4b:s7+s2], $0x80, v10, vm0, $0x38;
	[tilespmem:$0x18080] =	vst v63  }
0x95: {  	v60 =	vperm.xlane v9, v6;
	v10 =	vadd.s32 v0, v59  }
0x96: {  	[tilespmem:s25], [sflag:$0x2] =	stream.indirect_vreg.gather [hbm4b:s7+s2], $0x80, v11, vm0, $0x38;
	[tilespmem:$0x18080] =	vst v63  }
0x97: {  	v9 =	vperm.xlane v9, v8;
	v11 =	vadd.s32 v1, v60  }
0x98: {  	[tilespmem:s26], [sflag:$0x2] =	stream.indirect_vreg.gather [hbm4b:s7+s2], $0x80, v12, vm0, $0x38;
	[tilespmem:$0x18080] =	vst v63  }
0x99: {  	v9 =	vadd.s32 v2, v9  }
0x9a: {  	[tilespmem:s28], [sflag:$0x2] =	stream.indirect_vreg.gather [hbm4b:s7+s2], $0x80, v10, vm0, $0x38;
	[tilespmem:$0x18080] =	vst v63  }
0x9b: {  	_ = 	snop  }
0x9c: {  	[tilespmem:s29], [sflag:$0x2] =	stream.indirect_vreg.gather [hbm4b:s7+s2], $0x80, v11, vm0, $0x38;
	[tilespmem:$0x18080] =	vst v63  }
0x9d: {  	_ = 	snop  }
0x9e: {  	[tilespmem:s30], [sflag:$0x2] =	stream.indirect_vreg.gather [hbm4b:s7+s2], $0x80, v9, vm0, $0x38;
	[tilespmem:$0x18080] =	vst v63  }
0x9f: {  	v9 =	vld [tilespmem:$0x30];
	_ =	sdelay $0x4  }
0xa0: {  	v9 =	vmul.u32 $0xC000, v9;
	_ =	sdelay $0x1  }
0xa1: {  	v10 =	vperm.xlane v9, v3;
	_ =	sdelay $0x1  }
0xa2: {  	v11 =	vperm.xlane v9, v5;
	v10 =	vadd.s32 v0, v10;
	_ =	sdelay $0x1  }
0xa3: {  	v61 =	vperm.xlane v9, v7;
	v11 =	vadd.s32 v1, v11;
	_ =	sdelay $0x1  }
0xa4: {  	v62 =	vperm.xlane v9, v4;
	v12 =	vadd.s32 v2, v61  }
0xa5: {  	[tilespmem:s31], [sflag:$0x2] =	stream.indirect_vreg.gather [hbm4b:s7+s2], $0x80, v10, vm0, $0x38;
	[tilespmem:$0x18080] =	vst v63  }
0xa6: {  	v63 =	vperm.xlane v9, v6;
	v10 =	vadd.s32 v0, v62  }
0xa7: {  	[tilespmem:s0], [sflag:$0x2] =	stream.indirect_vreg.gather [hbm4b:s7+s2], $0x80, v11, vm0, $0x38;
	[tilespmem:$0x18080] =	vst v63  }
0xa8: {  	v9 =	vperm.xlane v9, v8;
	v11 =	vadd.s32 v1, v63  }
0xa9: {  	[tilespmem:s1], [sflag:$0x2] =	stream.indirect_vreg.gather [hbm4b:s7+s2], $0x80, v12, vm0, $0x38;
	[tilespmem:$0x18080] =	vst v63  }
0xaa: {  	v9 =	vadd.s32 v2, v9  }
0xab: {  	[tilespmem:s6], [sflag:$0x2] =	stream.indirect_vreg.gather [hbm4b:s7+s2], $0x80, v10, vm0, $0x38;
	[tilespmem:$0x18080] =	vst v63  }
0xac: {  	_ = 	snop  }
0xad: {  	[tilespmem:s9], [sflag:$0x2] =	stream.indirect_vreg.gather [hbm4b:s7+s2], $0x80, v11, vm0, $0x38;
	[tilespmem:$0x18080] =	vst v63  }
0xae: {  	s16 =	simm.s32 $0x0  }
0xaf: {  	[tilespmem:s12], [sflag:$0x2] =	stream.indirect_vreg.gather [hbm4b:s7+s2], $0x80, v9, vm0, $0x38;
	[tilespmem:$0x18080] =	vst v63  }
.LBB2_2:
0xb0: {  	s17 =	sshll.u32 s16, $0x8;
	s18 =	sshrl.u32 s16, $0x2  }
0xb1: {  	s19 =	sand.u32 $0x300, s17;
	s18 =	smul.u32 $0x1800, s18  }
0xb2: {  	s17 =	sor.u32 s4, s19  }
0xb3: {  	_ =	swait.ge [sflag:s13], $0xC000;
	s17 =	sor.u32 s18, s17  }
0xb4: {  	[sflag:s13] =	ssyncset.done $0x0;
	s17 =	sshrl.u32 s17, $0x3  }
0xb5: {  	s20 =	simm.s32 $0x80;
	[sflag:s13] =	ssyncadd.s32 $0xFFFF4000;
	s17 =	sadd.s32 s5, s17  }
0xb6: {  	[hbm4b:s17+s11] =	stream.strided.scatter [tilespmem:s20], [sflag:$0x3], $0x300, s14, s11, $0x38;
	[tilespmem:$0x18080] =	vst v63  }
0xb7: {  	s20 =	simm.s32 $0xC00  }
.LBB2_3:
0xb8: {  	p0 =	sne.s32 s20, $0x2F400  }
.Ltmp2:
0xb9: {  	_ = 	snop;
	(pc) =	sbr.rel @p0 .LBB2_3-.Ltmp2, $4  }
0xba: {  	_ = 	snop  }
0xbb: {  	s21 =	sshra.s32 s20, $0x2;
	s20 =	sadd.s32 $0xC00, s20  }
0xbc: {  	s17 =	sadd.s32 $0x1800, s17;
	s21 =	sadd.s32 $0x80, s21  }
0xbd: {  	[hbm4b:s17+s11] =	stream.strided.scatter [tilespmem:s21], [sflag:$0x3], $0x300, s14, s11, $0x38;
	[tilespmem:$0x18080] =	vst v63  }
0xbe: {  	p0 =	seq.s32 s16, $0x1F  }
.Ltmp3:
0xbf: {  	_ = 	snop;
	(pc) =	sbr.rel @p0 .LBB2_6-.Ltmp3, $4  }
0xc0: {  	_ = 	snop  }
0xc1: {  	_ =	swait.ge [sflag:s10], $0xC000  }
0xc2: {  	[sflag:s10] =	ssyncset.done $0x0  }
0xc3: {  	s17 =	sshll.u32 s16, $0x1;
	[sflag:s10] =	ssyncadd.s32 $0xFFFF4000  }
0xc4: {  	v9 =	vld [tilespmem:$0x0];
	_ =	sdelay $0x4  }
0xc5: {  	v9 =	vmul.u32 $0xC000, v9;
	_ =	sdelay $0x1  }
0xc6: {  	s20 =	sadd.s32 $0x2, s17;
	v10 =	vperm.xlane v9, v3  }
0xc7: {  	s21 =	sshrl.u32 s20, $0x3  }
0xc8: {  	s20 =	sshll.u32 s20, $0x7;
	s21 =	smul.u32 $0x1800, s21;
	v11 =	vperm.xlane v9, v5;
	v10 =	vadd.s32 v0, v10  }
0xc9: {  	s20 =	sand.u32 $0x300, s20  }
0xca: {  	s20 =	sor.u32 s20, s21;
	v12 =	vperm.xlane v9, v7;
	v11 =	vadd.s32 v1, v11  }
0xcb: {  	s20 =	sshrl.u32 s20, $0x3  }
0xcc: {  	s20 =	sadd.s32 s3, s20;
	v13 =	vperm.xlane v9, v4;
	v12 =	vadd.s32 v2, v12  }
0xcd: {  	[tilespmem:s11], [sflag:$0x1] =	stream.indirect_vreg.gather [hbm4b:s20+s2], $0x80, v10, vm0, $0x38;
	[tilespmem:$0x18080] =	vst v63  }
0xce: {  	s21 =	simm.s32 $0x880;
	v54 =	vperm.xlane v9, v6;
	v10 =	vadd.s32 v0, v13  }
0xcf: {  	[tilespmem:s21], [sflag:$0x1] =	stream.indirect_vreg.gather [hbm4b:s20+s2], $0x80, v11, vm0, $0x38;
	[tilespmem:$0x18080] =	vst v63  }
0xd0: {  	v9 =	vperm.xlane v9, v8;
	v11 =	vadd.s32 v1, v54;
	s21 =	simm.s32 $0x1080  }
0xd1: {  	[tilespmem:s21], [sflag:$0x1] =	stream.indirect_vreg.gather [hbm4b:s20+s2], $0x80, v12, vm0, $0x38;
	[tilespmem:$0x18080] =	vst v63  }
0xd2: {  	v9 =	vadd.s32 v2, v9;
	s21 =	simm.s32 $0x1880  }
0xd3: {  	[tilespmem:s21], [sflag:$0x1] =	stream.indirect_vreg.gather [hbm4b:s20+s2], $0x80, v10, vm0, $0x38;
	[tilespmem:$0x18080] =	vst v63  }
0xd4: {  	s21 =	simm.s32 $0x2080  }
0xd5: {  	[tilespmem:s21], [sflag:$0x1] =	stream.indirect_vreg.gather [hbm4b:s20+s2], $0x80, v11, vm0, $0x38;
	[tilespmem:$0x18080] =	vst v63  }
0xd6: {  	s21 =	simm.s32 $0x2880  }
0xd7: {  	[tilespmem:s21], [sflag:$0x1] =	stream.indirect_vreg.gather [hbm4b:s20+s2], $0x80, v9, vm0, $0x38;
	[tilespmem:$0x18080] =	vst v63  }
0xd8: {  	v9 =	vld [tilespmem:$0x10];
	_ =	sdelay $0x4  }
0xd9: {  	v9 =	vmul.u32 $0xC000, v9;
	_ =	sdelay $0x1  }
0xda: {  	v10 =	vperm.xlane v9, v3;
	_ =	sdelay $0x1  }
0xdb: {  	v11 =	vperm.xlane v9, v5;
	v10 =	vadd.s32 v0, v10;
	_ =	sdelay $0x1  }
0xdc: {  	v55 =	vperm.xlane v9, v7;
	v11 =	vadd.s32 v1, v11;
	_ =	sdelay $0x1  }
0xdd: {  	s21 =	simm.s32 $0x3080;
	v56 =	vperm.xlane v9, v4;
	v12 =	vadd.s32 v2, v55  }
0xde: {  	[tilespmem:s21], [sflag:$0x1] =	stream.indirect_vreg.gather [hbm4b:s20+s2], $0x80, v10, vm0, $0x38;
	[tilespmem:$0x18080] =	vst v63  }
0xdf: {  	v57 =	vperm.xlane v9, v6;
	v10 =	vadd.s32 v0, v56;
	s21 =	simm.s32 $0x3880  }
0xe0: {  	[tilespmem:s21], [sflag:$0x1] =	stream.indirect_vreg.gather [hbm4b:s20+s2], $0x80, v11, vm0, $0x38;
	[tilespmem:$0x18080] =	vst v63  }
0xe1: {  	v9 =	vperm.xlane v9, v8;
	v11 =	vadd.s32 v1, v57;
	s21 =	simm.s32 $0x4080  }
0xe2: {  	[tilespmem:s21], [sflag:$0x1] =	stream.indirect_vreg.gather [hbm4b:s20+s2], $0x80, v12, vm0, $0x38;
	[tilespmem:$0x18080] =	vst v63  }
0xe3: {  	v9 =	vadd.s32 v2, v9;
	s21 =	simm.s32 $0x4880  }
0xe4: {  	[tilespmem:s21], [sflag:$0x1] =	stream.indirect_vreg.gather [hbm4b:s20+s2], $0x80, v10, vm0, $0x38;
	[tilespmem:$0x18080] =	vst v63  }
0xe5: {  	s21 =	simm.s32 $0x5080  }
0xe6: {  	[tilespmem:s21], [sflag:$0x1] =	stream.indirect_vreg.gather [hbm4b:s20+s2], $0x80, v11, vm0, $0x38;
	[tilespmem:$0x18080] =	vst v63  }
0xe7: {  	s21 =	simm.s32 $0x5880  }
0xe8: {  	[tilespmem:s21], [sflag:$0x1] =	stream.indirect_vreg.gather [hbm4b:s20+s2], $0x80, v9, vm0, $0x38;
	[tilespmem:$0x18080] =	vst v63  }
0xe9: {  	v9 =	vld [tilespmem:$0x20];
	_ =	sdelay $0x4  }
0xea: {  	v9 =	vmul.u32 $0xC000, v9;
	_ =	sdelay $0x1  }
0xeb: {  	v10 =	vperm.xlane v9, v3;
	_ =	sdelay $0x1  }
0xec: {  	v11 =	vperm.xlane v9, v5;
	v10 =	vadd.s32 v0, v10;
	_ =	sdelay $0x1  }
0xed: {  	v58 =	vperm.xlane v9, v7;
	v11 =	vadd.s32 v1, v11;
	_ =	sdelay $0x1  }
0xee: {  	s21 =	simm.s32 $0x6080;
	v59 =	vperm.xlane v9, v4;
	v12 =	vadd.s32 v2, v58  }
0xef: {  	[tilespmem:s21], [sflag:$0x1] =	stream.indirect_vreg.gather [hbm4b:s20+s2], $0x80, v10, vm0, $0x38;
	[tilespmem:$0x18080] =	vst v63  }
0xf0: {  	v60 =	vperm.xlane v9, v6;
	v10 =	vadd.s32 v0, v59;
	s21 =	simm.s32 $0x6880  }
0xf1: {  	[tilespmem:s21], [sflag:$0x1] =	stream.indirect_vreg.gather [hbm4b:s20+s2], $0x80, v11, vm0, $0x38;
	[tilespmem:$0x18080] =	vst v63  }
0xf2: {  	v9 =	vperm.xlane v9, v8;
	v11 =	vadd.s32 v1, v60;
	s21 =	simm.s32 $0x7080  }
0xf3: {  	[tilespmem:s21], [sflag:$0x1] =	stream.indirect_vreg.gather [hbm4b:s20+s2], $0x80, v12, vm0, $0x38;
	[tilespmem:$0x18080] =	vst v63  }
0xf4: {  	v9 =	vadd.s32 v2, v9;
	s21 =	simm.s32 $0x7880  }
0xf5: {  	[tilespmem:s21], [sflag:$0x1] =	stream.indirect_vreg.gather [hbm4b:s20+s2], $0x80, v10, vm0, $0x38;
	[tilespmem:$0x18080] =	vst v63  }
0xf6: {  	s21 =	simm.s32 $0x8080  }
0xf7: {  	[tilespmem:s21], [sflag:$0x1] =	stream.indirect_vreg.gather [hbm4b:s20+s2], $0x80, v11, vm0, $0x38;
	[tilespmem:$0x18080] =	vst v63  }
0xf8: {  	s21 =	simm.s32 $0x8880  }
0xf9: {  	[tilespmem:s21], [sflag:$0x1] =	stream.indirect_vreg.gather [hbm4b:s20+s2], $0x80, v9, vm0, $0x38;
	[tilespmem:$0x18080] =	vst v63  }
0xfa: {  	v9 =	vld [tilespmem:$0x30];
	_ =	sdelay $0x4  }
0xfb: {  	v9 =	vmul.u32 $0xC000, v9;
	_ =	sdelay $0x1  }
0xfc: {  	v10 =	vperm.xlane v9, v3;
	_ =	sdelay $0x1  }
0xfd: {  	v11 =	vperm.xlane v9, v5;
	v10 =	vadd.s32 v0, v10;
	_ =	sdelay $0x1  }
0xfe: {  	v61 =	vperm.xlane v9, v7;
	v11 =	vadd.s32 v1, v11;
	_ =	sdelay $0x1  }
0xff: {  	s21 =	simm.s32 $0x9080;
	v62 =	vperm.xlane v9, v4;
	v12 =	vadd.s32 v2, v61  }
0x100: {  	[tilespmem:s21], [sflag:$0x1] =	stream.indirect_vreg.gather [hbm4b:s20+s2], $0x80, v10, vm0, $0x38;
	[tilespmem:$0x18080] =	vst v63  }
0x101: {  	v63 =	vperm.xlane v9, v6;
	v10 =	vadd.s32 v0, v62;
	s21 =	simm.s32 $0x9880  }
0x102: {  	[tilespmem:s21], [sflag:$0x1] =	stream.indirect_vreg.gather [hbm4b:s20+s2], $0x80, v11, vm0, $0x38;
	[tilespmem:$0x18080] =	vst v63  }
0x103: {  	v9 =	vperm.xlane v9, v8;
	v11 =	vadd.s32 v1, v63;
	s21 =	simm.s32 $0xA080  }
0x104: {  	[tilespmem:s21], [sflag:$0x1] =	stream.indirect_vreg.gather [hbm4b:s20+s2], $0x80, v12, vm0, $0x38;
	[tilespmem:$0x18080] =	vst v63  }
0x105: {  	v9 =	vadd.s32 v2, v9;
	s21 =	simm.s32 $0xA880  }
0x106: {  	[tilespmem:s21], [sflag:$0x1] =	stream.indirect_vreg.gather [hbm4b:s20+s2], $0x80, v10, vm0, $0x38;
	[tilespmem:$0x18080] =	vst v63  }
0x107: {  	s21 =	simm.s32 $0xB080  }
0x108: {  	[tilespmem:s21], [sflag:$0x1] =	stream.indirect_vreg.gather [hbm4b:s20+s2], $0x80, v11, vm0, $0x38;
	[tilespmem:$0x18080] =	vst v63  }
0x109: {  	s21 =	simm.s32 $0xB880  }
0x10a: {  	[tilespmem:s21], [sflag:$0x1] =	stream.indirect_vreg.gather [hbm4b:s20+s2], $0x80, v9, vm0, $0x38;
	[tilespmem:$0x18080] =	vst v63  }
.LBB2_6:
0x10b: {  	s19 =	sor.u32 s8, s19  }
0x10c: {  	_ =	swait.ge [sflag:s15], $0xC000;
	s18 =	sor.u32 s18, s19  }
0x10d: {  	s21 =	simm.s32 $0xC080;
	[sflag:s15] =	ssyncset.done $0x0;
	s18 =	sshrl.u32 s18, $0x3  }
0x10e: {  	s19 =	simm.s32 $0xC00;
	[sflag:s15] =	ssyncadd.s32 $0xFFFF4000;
	s18 =	sadd.s32 s5, s18  }
0x10f: {  	[hbm4b:s18+s11] =	stream.strided.scatter [tilespmem:s21], [sflag:$0x3], $0x300, s14, s11, $0x38;
	[tilespmem:$0x18080] =	vst v63  }
.LBB2_7:
0x110: {  	p1 =	sne.s32 s19, $0x2F400  }
.Ltmp4:
0x111: {  	_ = 	snop;
	(pc) =	sbr.rel @p1 .LBB2_7-.Ltmp4, $4  }
0x112: {  	_ = 	snop  }
0x113: {  	s20 =	sshra.s32 s19, $0x2;
	s19 =	sadd.s32 $0xC00, s19  }
0x114: {  	s18 =	sadd.s32 $0x1800, s18;
	s20 =	sadd.s32 $0xC080, s20  }
0x115: {  	[hbm4b:s18+s11] =	stream.strided.scatter [tilespmem:s20], [sflag:$0x3], $0x300, s14, s11, $0x38;
	[tilespmem:$0x18080] =	vst v63  }
.Ltmp5:
0x116: {  	(pc) =	sbr.rel @p0 .LBB2_10-.Ltmp5, $4  }
0x117: {  	_ = 	snop  }
0x118: {  	_ =	swait.ge [sflag:s10], $0xC000  }
0x119: {  	[sflag:s10] =	ssyncset.done $0x0  }
0x11a: {  	[sflag:s10] =	ssyncadd.s32 $0xFFFF4000  }
0x11b: {  	v9 =	vld [tilespmem:$0x0];
	_ =	sdelay $0x4  }
0x11c: {  	v9 =	vmul.u32 $0xC000, v9;
	_ =	sdelay $0x1  }
0x11d: {  	s17 =	sadd.s32 $0x3, s17;
	v10 =	vperm.xlane v9, v3  }
0x11e: {  	s18 =	sshrl.u32 s17, $0x3  }
0x11f: {  	s17 =	sshll.u32 s17, $0x7;
	s18 =	smul.u32 $0x1800, s18;
	v11 =	vperm.xlane v9, v5;
	v10 =	vadd.s32 v0, v10  }
0x120: {  	s17 =	sand.u32 $0x380, s17  }
0x121: {  	s17 =	sor.u32 s17, s18;
	v12 =	vperm.xlane v9, v7;
	v11 =	vadd.s32 v1, v11  }
0x122: {  	s17 =	sshrl.u32 s17, $0x3  }
0x123: {  	s21 =	simm.s32 $0xC080;
	s17 =	sadd.s32 s3, s17;
	v13 =	vperm.xlane v9, v4;
	v12 =	vadd.s32 v2, v12  }
0x124: {  	[tilespmem:s21], [sflag:$0x2] =	stream.indirect_vreg.gather [hbm4b:s17+s2], $0x80, v10, vm0, $0x38;
	[tilespmem:$0x18080] =	vst v63  }
0x125: {  	s19 =	simm.s32 $0xC880;
	v54 =	vperm.xlane v9, v6;
	v10 =	vadd.s32 v0, v13  }
0x126: {  	[tilespmem:s19], [sflag:$0x2] =	stream.indirect_vreg.gather [hbm4b:s17+s2], $0x80, v11, vm0, $0x38;
	[tilespmem:$0x18080] =	vst v63  }
0x127: {  	s20 =	simm.s32 $0xD080;
	v9 =	vperm.xlane v9, v8;
	v11 =	vadd.s32 v1, v54  }
0x128: {  	[tilespmem:s20], [sflag:$0x2] =	stream.indirect_vreg.gather [hbm4b:s17+s2], $0x80, v12, vm0, $0x38;
	[tilespmem:$0x18080] =	vst v63  }
0x129: {  	v9 =	vadd.s32 v2, v9;
	s21 =	simm.s32 $0xD880  }
0x12a: {  	[tilespmem:s21], [sflag:$0x2] =	stream.indirect_vreg.gather [hbm4b:s17+s2], $0x80, v10, vm0, $0x38;
	[tilespmem:$0x18080] =	vst v63  }
0x12b: {  	s19 =	simm.s32 $0xE080  }
0x12c: {  	[tilespmem:s19], [sflag:$0x2] =	stream.indirect_vreg.gather [hbm4b:s17+s2], $0x80, v11, vm0, $0x38;
	[tilespmem:$0x18080] =	vst v63  }
0x12d: {  	s20 =	simm.s32 $0xE880  }
0x12e: {  	[tilespmem:s20], [sflag:$0x2] =	stream.indirect_vreg.gather [hbm4b:s17+s2], $0x80, v9, vm0, $0x38;
	[tilespmem:$0x18080] =	vst v63  }
0x12f: {  	v9 =	vld [tilespmem:$0x10];
	_ =	sdelay $0x4  }
0x130: {  	v9 =	vmul.u32 $0xC000, v9;
	_ =	sdelay $0x1  }
0x131: {  	v10 =	vperm.xlane v9, v3;
	_ =	sdelay $0x1  }
0x132: {  	v11 =	vperm.xlane v9, v5;
	v10 =	vadd.s32 v0, v10;
	_ =	sdelay $0x1  }
0x133: {  	v55 =	vperm.xlane v9, v7;
	v11 =	vadd.s32 v1, v11;
	_ =	sdelay $0x1  }
0x134: {  	s21 =	simm.s32 $0xF080;
	v56 =	vperm.xlane v9, v4;
	v12 =	vadd.s32 v2, v55  }
0x135: {  	[tilespmem:s21], [sflag:$0x2] =	stream.indirect_vreg.gather [hbm4b:s17+s2], $0x80, v10, vm0, $0x38;
	[tilespmem:$0x18080] =	vst v63  }
0x136: {  	s19 =	simm.s32 $0xF880;
	v57 =	vperm.xlane v9, v6;
	v10 =	vadd.s32 v0, v56  }
0x137: {  	[tilespmem:s19], [sflag:$0x2] =	stream.indirect_vreg.gather [hbm4b:s17+s2], $0x80, v11, vm0, $0x38;
	[tilespmem:$0x18080] =	vst v63  }
0x138: {  	s20 =	simm.s32 $0x10080;
	v9 =	vperm.xlane v9, v8;
	v11 =	vadd.s32 v1, v57  }
0x139: {  	[tilespmem:s20], [sflag:$0x2] =	stream.indirect_vreg.gather [hbm4b:s17+s2], $0x80, v12, vm0, $0x38;
	[tilespmem:$0x18080] =	vst v63  }
0x13a: {  	v9 =	vadd.s32 v2, v9;
	s21 =	simm.s32 $0x10880  }
0x13b: {  	[tilespmem:s21], [sflag:$0x2] =	stream.indirect_vreg.gather [hbm4b:s17+s2], $0x80, v10, vm0, $0x38;
	[tilespmem:$0x18080] =	vst v63  }
0x13c: {  	_ = 	snop  }
0x13d: {  	[tilespmem:s22], [sflag:$0x2] =	stream.indirect_vreg.gather [hbm4b:s17+s2], $0x80, v11, vm0, $0x38;
	[tilespmem:$0x18080] =	vst v63  }
0x13e: {  	_ = 	snop  }
0x13f: {  	[tilespmem:s23], [sflag:$0x2] =	stream.indirect_vreg.gather [hbm4b:s17+s2], $0x80, v9, vm0, $0x38;
	[tilespmem:$0x18080] =	vst v63  }
0x140: {  	v9 =	vld [tilespmem:$0x20];
	_ =	sdelay $0x4  }
0x141: {  	v9 =	vmul.u32 $0xC000, v9;
	_ =	sdelay $0x1  }
0x142: {  	v10 =	vperm.xlane v9, v3;
	_ =	sdelay $0x1  }
0x143: {  	v11 =	vperm.xlane v9, v5;
	v10 =	vadd.s32 v0, v10;
	_ =	sdelay $0x1  }
0x144: {  	v58 =	vperm.xlane v9, v7;
	v11 =	vadd.s32 v1, v11;
	_ =	sdelay $0x1  }
0x145: {  	v59 =	vperm.xlane v9, v4;
	v12 =	vadd.s32 v2, v58  }
0x146: {  	[tilespmem:s24], [sflag:$0x2] =	stream.indirect_vreg.gather [hbm4b:s17+s2], $0x80, v10, vm0, $0x38;
	[tilespmem:$0x18080] =	vst v63  }
0x147: {  	v60 =	vperm.xlane v9, v6;
	v10 =	vadd.s32 v0, v59  }
0x148: {  	[tilespmem:s25], [sflag:$0x2] =	stream.indirect_vreg.gather [hbm4b:s17+s2], $0x80, v11, vm0, $0x38;
	[tilespmem:$0x18080] =	vst v63  }
0x149: {  	v9 =	vperm.xlane v9, v8;
	v11 =	vadd.s32 v1, v60  }
0x14a: {  	[tilespmem:s26], [sflag:$0x2] =	stream.indirect_vreg.gather [hbm4b:s17+s2], $0x80, v12, vm0, $0x38;
	[tilespmem:$0x18080] =	vst v63  }
0x14b: {  	v9 =	vadd.s32 v2, v9  }
0x14c: {  	[tilespmem:s28], [sflag:$0x2] =	stream.indirect_vreg.gather [hbm4b:s17+s2], $0x80, v10, vm0, $0x38;
	[tilespmem:$0x18080] =	vst v63  }
0x14d: {  	_ = 	snop  }
0x14e: {  	[tilespmem:s29], [sflag:$0x2] =	stream.indirect_vreg.gather [hbm4b:s17+s2], $0x80, v11, vm0, $0x38;
	[tilespmem:$0x18080] =	vst v63  }
0x14f: {  	_ = 	snop  }
0x150: {  	[tilespmem:s30], [sflag:$0x2] =	stream.indirect_vreg.gather [hbm4b:s17+s2], $0x80, v9, vm0, $0x38;
	[tilespmem:$0x18080] =	vst v63  }
0x151: {  	v9 =	vld [tilespmem:$0x30];
	_ =	sdelay $0x4  }
0x152: {  	v9 =	vmul.u32 $0xC000, v9;
	_ =	sdelay $0x1  }
0x153: {  	v10 =	vperm.xlane v9, v3;
	_ =	sdelay $0x1  }
0x154: {  	v11 =	vperm.xlane v9, v5;
	v10 =	vadd.s32 v0, v10;
	_ =	sdelay $0x1  }
0x155: {  	v61 =	vperm.xlane v9, v7;
	v11 =	vadd.s32 v1, v11;
	_ =	sdelay $0x1  }
0x156: {  	v62 =	vperm.xlane v9, v4;
	v12 =	vadd.s32 v2, v61  }
0x157: {  	[tilespmem:s31], [sflag:$0x2] =	stream.indirect_vreg.gather [hbm4b:s17+s2], $0x80, v10, vm0, $0x38;
	[tilespmem:$0x18080] =	vst v63  }
0x158: {  	v10 =	vadd.s32 v0, v62  }
0x159: {  	v63 =	vperm.xlane v9, v6;
	[tilespmem:s0], [sflag:$0x2] =	stream.indirect_vreg.gather [hbm4b:s17+s2], $0x80, v11, vm0, $0x38;
	[tilespmem:$0x18080] =	vst v63  }
0x15a: {  	_ = 	snop  }
0x15b: {  	v9 =	vperm.xlane v9, v8;
	v11 =	vadd.s32 v1, v63;
	[tilespmem:s1], [sflag:$0x2] =	stream.indirect_vreg.gather [hbm4b:s17+s2], $0x80, v12, vm0, $0x38;
	[tilespmem:$0x18080] =	vst v63  }
0x15c: {  	_ = 	snop  }
0x15d: {  	v9 =	vadd.s32 v2, v9;
	[tilespmem:s6], [sflag:$0x2] =	stream.indirect_vreg.gather [hbm4b:s17+s2], $0x80, v10, vm0, $0x38;
	[tilespmem:$0x18080] =	vst v63  }
.Ltmp6:
0x15e: {  	_ = 	snop;
	(pc) =	sbr.rel .LBB2_2-.Ltmp6, $4  }
0x15f: {  	_ = 	snop  }
0x160: {  	[tilespmem:s9], [sflag:$0x2] =	stream.indirect_vreg.gather [hbm4b:s17+s2], $0x80, v11, vm0, $0x38;
	[tilespmem:$0x18080] =	vst v63  }
0x161: {  	s16 =	sadd.s32 $0x1, s16  }
0x162: {  	[tilespmem:s12], [sflag:$0x2] =	stream.indirect_vreg.gather [hbm4b:s17+s2], $0x80, v9, vm0, $0x38;
	[tilespmem:$0x18080] =	vst v63  }
.LBB2_11:
0x163: {  	_ =	sfence.sel $0x180000  }
0x164: {  	[bflag:$0x0] =	sbarrier.arrive $0xFFFF  }
0x165: {  	_ =	strace $0x90000047  }
0x166: {  	s0 =	stileid.u32;
	[bflag:$0x2] =	sbarrier.arrive $0xFFFF  }
0x167: {  	p0 =	sne.s32 s0, $0x0;
	s0 =	rddreg [dreg:$0x2]  }
0x168: {  	s0 =	sadd.s32 @!p0 $0x100000, s0  }
0x169: {  	[sflag:s0] =	ssyncadd.tile.s32 @!p0 $0x1;
	_ =	shalt  }
.Lfunc_end2:
_tile_overlayer_lowered:
.L_overlay_start_2:
0x16a: {  	(tag) =	ssettag $0x2  }
0x16b: {  	s0 =	rddreg [dreg:$0x0];
	s2 =	stileid.u32  }
0x16c: {  	s1 =	rddreg [dreg:$0x1];
	p0 =	sne.s32 s2, $0x0  }
0x16d: {  	s3 =	rddreg [dreg:$0x2];
	[bflag:$0x3] =	sbarrier.arrive $0xFFFF;
	s2 =	simm.s32 @!p0 $0x1C03  }
0x16e: {  	[timem:s3], [sflag:s2] =	dma.local @!p0 [hbm:s0], s1  }
0x16f: {  	s0 =	simm.s32 @!p0 $0x3  }
0x170: {  	_ =	swait.ge @!p0 [sflag:s0], s1  }
0x171: {  	s1 =	ssub.s32 @!p0 $0x0, s1;
	[sflag:s0] =	ssyncset.done @!p0 $0x0  }
0x172: {  	[sflag:s0] =	ssyncadd.s32 @!p0 s1  }
0x173: {  	[bflag:$0x3] =	sbarrier.arrive $0xFFFF  }
0x174: {  	_ =	shalt  }

</sc_bundles>
